<compile_context>
chip_gen: v7x
topology: tpu7x:2x2x1
jax: 0.10.2.dev20260603
libtpu: 0.0.44.dev20260713+nightly
codegen_flags: <defaults>
</compile_context>

<pallas_src>
import functools

import jax
import jax.numpy as jnp
from jax import lax
from jax.experimental import pallas as pl
from jax.experimental.pallas import tpu as pltpu
from jax.experimental.pallas import tpu_sc as plsc

NUM_TOKENS = 4096 * 200
DIM = 128
NUM_WORKERS = 32
ROWS_PER_WORKER = NUM_TOKENS // NUM_WORKERS
GATHER = 128
NGATHER = 1
CHUNK = GATHER * NGATHER
NCHUNKS = ROWS_PER_WORKER // CHUNK
NBUF = 4
NGROUPS = NCHUNKS // NBUF
IDXROWS = ROWS_PER_WORKER // GATHER

_mesh = plsc.VectorSubcoreMesh(core_axis_name="c", subcore_axis_name="s")


@functools.partial(
    pl.kernel,
    mesh=_mesh,
    out_type=jax.ShapeDtypeStruct((NUM_TOKENS, DIM), jnp.float32),
    scratch_types=[
        pltpu.VMEM((IDXROWS, GATHER), jnp.int32),
        pltpu.VMEM((NBUF, CHUNK, DIM), jnp.float32),
    ] + [pltpu.SemaphoreType.DMA] * (2 * NBUF),
)
def _embed(ids_hbm, table_hbm, out_hbm, idx_v, rows_v, *sems):
    gsem = sems[:NBUF]
    ssem = sems[NBUF:]
    wid = lax.axis_index("s") * 2 + lax.axis_index("c")
    idx_base = wid * IDXROWS
    tok_base = idx_base * GATHER

    pltpu.sync_copy(ids_hbm.at[pl.ds(idx_base, IDXROWS)], idx_v)

    def fire_gathers(ci, slot):
        for j in range(NGATHER):
            pltpu.async_copy(
                table_hbm.at[idx_v.at[ci * NGATHER + j]],
                rows_v.at[slot].at[pl.ds(j * GATHER, GATHER)],
                gsem[slot])

    def wait_gathers(ci, slot):
        for j in range(NGATHER):
            pltpu.make_async_copy(
                table_hbm.at[idx_v.at[ci * NGATHER + j]],
                rows_v.at[slot].at[pl.ds(j * GATHER, GATHER)],
                gsem[slot]).wait()

    def fire_store(ci, slot):
        pltpu.async_copy(
            rows_v.at[slot],
            out_hbm.at[pl.ds(tok_base + ci * CHUNK, CHUNK)],
            ssem[slot])

    def wait_store(ci, slot):
        pltpu.make_async_copy(
            rows_v.at[slot],
            out_hbm.at[pl.ds(tok_base + ci * CHUNK, CHUNK)],
            ssem[slot]).wait()

    for b in range(NBUF - 1):
        fire_gathers(b, b)

    def group(g, _):
        for b in range(NBUF):
            ci = g * NBUF + b
            nslot = (b + NBUF - 1) % NBUF
            nci = ci + NBUF - 1

            @pl.when(jnp.logical_and(nci < NCHUNKS, ci >= 1))
            def _():
                wait_store(ci - 1, nslot)

            @pl.when(nci < NCHUNKS)
            def _():
                fire_gathers(nci, nslot)

            wait_gathers(ci, b)
            fire_store(ci, b)
        return 0

    lax.fori_loop(0, NGROUPS, group, 0)

    for b in range(NBUF):
        ci = NCHUNKS - NBUF + b
        wait_store(ci, b)


def kernel(token_ids, weight):
    ids = token_ids.astype(jnp.int32).reshape(NUM_TOKENS // GATHER, GATHER)
    out = _embed(ids, weight)
    return out.reshape(token_ids.shape + (DIM,))

# --- scband reference (transcript-rebuilt; emitter-appended) ---
"""Pipeline reference for scband-embedding-67405216743846 (READ-ONLY COPY).

The authoritative reference and input builder live on the scoring server;
editing this copy changes nothing except your own understanding.
"""

import jax, jax.numpy as jnp
import numpy as np

NUM_EMBEDDINGS = 100000
EMBEDDING_DIM = 128

def _trunc_normal(key, shape):
    # N(0,1) truncated to [-3, 3]
    return jax.random.truncated_normal(key, -3.0, 3.0, shape, dtype=jnp.float32)

def setup_inputs(seed: int = 0) -> dict:
    key = jax.random.key(seed)
    k_idx, k_w = jax.random.split(key)
    token_ids = jax.random.randint(k_idx, (4096, 200), 0, NUM_EMBEDDINGS, dtype=jnp.int64)
    weight = _trunc_normal(k_w, (NUM_EMBEDDINGS, EMBEDDING_DIM))
    return {"token_ids": token_ids, "weight": weight}

def reference(token_ids, weight):
    # Simple table lookup: weight[token_ids] -> [..., embedding_dim]
    return jnp.take(weight, token_ids, axis=0)

if __name__ == "__main__":
    import jax
    _d = setup_inputs()
    print(jax.jit(kernel)(*tuple(_d.values())))

</pallas_src>

<mosaic_0001>
#map = affine_map<(d0, d1) -> (0, 0)>
module attributes {stable_mosaic.version = 14 : i64} {
  func.func @_embed(%arg0: i32, %arg1: i32, %arg2: memref<6400x128xi32, #tpu.memory_space<hbm>>, %arg3: memref<100000x128xf32, #tpu.memory_space<hbm>>, %arg4: memref<819200x128xf32, #tpu.memory_space<hbm>>, %arg5: memref<200x128xi32, #tpu.memory_space<vmem>>, %arg6: memref<4x128x128xf32, #tpu.memory_space<vmem>>, %arg7: memref<!tpu.dma_semaphore, #tpu.memory_space<semaphore_mem>>, %arg8: memref<!tpu.dma_semaphore, #tpu.memory_space<semaphore_mem>>, %arg9: memref<!tpu.dma_semaphore, #tpu.memory_space<semaphore_mem>>, %arg10: memref<!tpu.dma_semaphore, #tpu.memory_space<semaphore_mem>>, %arg11: memref<!tpu.dma_semaphore, #tpu.memory_space<semaphore_mem>>, %arg12: memref<!tpu.dma_semaphore, #tpu.memory_space<semaphore_mem>>, %arg13: memref<!tpu.dma_semaphore, #tpu.memory_space<semaphore_mem>>, %arg14: memref<!tpu.dma_semaphore, #tpu.memory_space<semaphore_mem>>) attributes {dimension_semantics = [#tpu.dimension_semantics<core_parallel>, #tpu.dimension_semantics<subcore_parallel>], iteration_bounds = array<i64: 2, 16>, scalar_prefetch = 0 : i64, scratch_operands = 10 : i64, tpu.core_type = #tpu.core_type<sc_vector_subcore>, window_params = [{transform_indices = #map}, {transform_indices = #map}, {transform_indices = #map}]} {
    %mul3A = arith.constant 2 : i32
    %mul3A_0 = arith.muli %arg1, %mul3A : i32
    %add3A = arith.addi %mul3A_0, %arg0 : i32
    %mul3A_1 = arith.constant 200 : i32
    %mul3A_2 = arith.muli %add3A, %mul3A_1 : i32
    %mul3A_3 = arith.constant 128 : i32
    %mul3A_4 = arith.muli %mul3A_2, %mul3A_3 : i32
    "tpu.region"() ({
      %run_scoped3A = tpu.sem_alloc : memref<!tpu.dma_semaphore, #tpu.memory_space<semaphore_mem>>
      %dma_start3A_114 = arith.constant 0 : i32
      %dma_start3A_115 = tpu.memref_slice %arg2[%mul3A_2, %dma_start3A_114] : memref<6400x128xi32, #tpu.memory_space<hbm>> -> memref<200x128xi32, #tpu.memory_space<hbm>>
      %dma_start3A_116 = arith.constant 0 : i32
      %dma_start3A_117 = tpu.memref_slice %arg2[%mul3A_2, %dma_start3A_116] : memref<6400x128xi32, #tpu.memory_space<hbm>> -> memref<200x128xi32, #tpu.memory_space<hbm>>
      tpu.enqueue_dma source(%dma_start3A_117 : memref<200x128xi32, #tpu.memory_space<hbm>>) target(%arg5 : memref<200x128xi32, #tpu.memory_space<vmem>>) target_semaphore(%run_scoped3A : memref<!tpu.dma_semaphore, #tpu.memory_space<semaphore_mem>>)
      %dma_wait3A_118 = arith.constant 0 : i32
      %dma_wait3A_119 = tpu.memref_slice %arg2[%mul3A_2, %dma_wait3A_118] : memref<6400x128xi32, #tpu.memory_space<hbm>> -> memref<200x128xi32, #tpu.memory_space<hbm>>
      %dma_wait3A_120 = arith.constant 0 : i32
      %dma_wait3A_121 = tpu.memref_slice %arg2[%mul3A_2, %dma_wait3A_120] : memref<6400x128xi32, #tpu.memory_space<hbm>> -> memref<200x128xi32, #tpu.memory_space<hbm>>
      tpu.wait_dma2 semaphore(%run_scoped3A : memref<!tpu.dma_semaphore, #tpu.memory_space<semaphore_mem>>) src(%dma_wait3A_121 : memref<200x128xi32, #tpu.memory_space<hbm>>) dst(%arg5 : memref<200x128xi32, #tpu.memory_space<vmem>>)
      tpu.yield
    }) : () -> ()
    %dma_start3A = arith.constant 0 : i32
    %dma_start3A_5 = arith.constant 0 : i32
    %dma_start3A_6 = arith.constant 0 : i32
    %dma_start3A_7 = arith.constant 0 : i32
    %dma_start3A_8 = tpu.memref_slice %arg6[%dma_start3A_5, %dma_start3A_6, %dma_start3A_7] : memref<4x128x128xf32, #tpu.memory_space<vmem>> -> memref<1x128x128xf32, #tpu.memory_space<vmem>>
    %dma_start3A_9 = tpu.memref_squeeze %dma_start3A_8 : memref<1x128x128xf32, #tpu.memory_space<vmem>> -> memref<128x128xf32, #tpu.memory_space<vmem>>
    %dma_start3A_10 = arith.constant 0 : i32
    %dma_start3A_11 = arith.constant 0 : i32
    %dma_start3A_12 = tpu.memref_slice %dma_start3A_9[%dma_start3A_10, %dma_start3A_11] : memref<128x128xf32, #tpu.memory_space<vmem>> -> memref<128x128xf32, #tpu.memory_space<vmem>>
    %dma_start3A_13 = arith.constant 0 : i32
    %dma_start3A_14 = tpu.memref_slice %arg5[%dma_start3A, %dma_start3A_13] : memref<200x128xi32, #tpu.memory_space<vmem>> -> memref<1x128xi32, #tpu.memory_space<vmem>>
    %dma_start3A_15 = tpu.memref_squeeze %dma_start3A_14 : memref<1x128xi32, #tpu.memory_space<vmem>> -> memref<128xi32, #tpu.memory_space<vmem>>
    %dma_start3A_16 = arith.constant 0 : i32
    %dma_start3A_17 = arith.constant 0 : i32
    %dma_start3A_18 = tpu.memref_slice %arg3[%dma_start3A_16, %dma_start3A_17] : memref<100000x128xf32, #tpu.memory_space<hbm>> -> memref<100000x128xf32, #tpu.memory_space<hbm>>
    tpu.enqueue_indirect_dma source(%dma_start3A_18 : memref<100000x128xf32, #tpu.memory_space<hbm>>) target(%dma_start3A_12 : memref<128x128xf32, #tpu.memory_space<vmem>>) offsets(%dma_start3A_15 : memref<128xi32, #tpu.memory_space<vmem>>) semaphore(%arg7 : memref<!tpu.dma_semaphore, #tpu.memory_space<semaphore_mem>>)
    %dma_start3A_19 = arith.constant 1 : i32
    %dma_start3A_20 = arith.constant 1 : i32
    %dma_start3A_21 = arith.constant 0 : i32
    %dma_start3A_22 = arith.constant 0 : i32
    %dma_start3A_23 = tpu.memref_slice %arg6[%dma_start3A_20, %dma_start3A_21, %dma_start3A_22] : memref<4x128x128xf32, #tpu.memory_space<vmem>> -> memref<1x128x128xf32, #tpu.memory_space<vmem>>
    %dma_start3A_24 = tpu.memref_squeeze %dma_start3A_23 : memref<1x128x128xf32, #tpu.memory_space<vmem>> -> memref<128x128xf32, #tpu.memory_space<vmem>>
    %dma_start3A_25 = arith.constant 0 : i32
    %dma_start3A_26 = arith.constant 0 : i32
    %dma_start3A_27 = tpu.memref_slice %dma_start3A_24[%dma_start3A_25, %dma_start3A_26] : memref<128x128xf32, #tpu.memory_space<vmem>> -> memref<128x128xf32, #tpu.memory_space<vmem>>
    %dma_start3A_28 = arith.constant 0 : i32
    %dma_start3A_29 = tpu.memref_slice %arg5[%dma_start3A_19, %dma_start3A_28] : memref<200x128xi32, #tpu.memory_space<vmem>> -> memref<1x128xi32, #tpu.memory_space<vmem>>
    %dma_start3A_30 = tpu.memref_squeeze %dma_start3A_29 : memref<1x128xi32, #tpu.memory_space<vmem>> -> memref<128xi32, #tpu.memory_space<vmem>>
    %dma_start3A_31 = arith.constant 0 : i32
    %dma_start3A_32 = arith.constant 0 : i32
    %dma_start3A_33 = tpu.memref_slice %arg3[%dma_start3A_31, %dma_start3A_32] : memref<100000x128xf32, #tpu.memory_space<hbm>> -> memref<100000x128xf32, #tpu.memory_space<hbm>>
    tpu.enqueue_indirect_dma source(%dma_start3A_33 : memref<100000x128xf32, #tpu.memory_space<hbm>>) target(%dma_start3A_27 : memref<128x128xf32, #tpu.memory_space<vmem>>) offsets(%dma_start3A_30 : memref<128xi32, #tpu.memory_space<vmem>>) semaphore(%arg8 : memref<!tpu.dma_semaphore, #tpu.memory_space<semaphore_mem>>)
    %dma_start3A_34 = arith.constant 2 : i32
    %dma_start3A_35 = arith.constant 2 : i32
    %dma_start3A_36 = arith.constant 0 : i32
    %dma_start3A_37 = arith.constant 0 : i32
    %dma_start3A_38 = tpu.memref_slice %arg6[%dma_start3A_35, %dma_start3A_36, %dma_start3A_37] : memref<4x128x128xf32, #tpu.memory_space<vmem>> -> memref<1x128x128xf32, #tpu.memory_space<vmem>>
    %dma_start3A_39 = tpu.memref_squeeze %dma_start3A_38 : memref<1x128x128xf32, #tpu.memory_space<vmem>> -> memref<128x128xf32, #tpu.memory_space<vmem>>
    %dma_start3A_40 = arith.constant 0 : i32
    %dma_start3A_41 = arith.constant 0 : i32
    %dma_start3A_42 = tpu.memref_slice %dma_start3A_39[%dma_start3A_40, %dma_start3A_41] : memref<128x128xf32, #tpu.memory_space<vmem>> -> memref<128x128xf32, #tpu.memory_space<vmem>>
    %dma_start3A_43 = arith.constant 0 : i32
    %dma_start3A_44 = tpu.memref_slice %arg5[%dma_start3A_34, %dma_start3A_43] : memref<200x128xi32, #tpu.memory_space<vmem>> -> memref<1x128xi32, #tpu.memory_space<vmem>>
    %dma_start3A_45 = tpu.memref_squeeze %dma_start3A_44 : memref<1x128xi32, #tpu.memory_space<vmem>> -> memref<128xi32, #tpu.memory_space<vmem>>
    %dma_start3A_46 = arith.constant 0 : i32
    %dma_start3A_47 = arith.constant 0 : i32
    %dma_start3A_48 = tpu.memref_slice %arg3[%dma_start3A_46, %dma_start3A_47] : memref<100000x128xf32, #tpu.memory_space<hbm>> -> memref<100000x128xf32, #tpu.memory_space<hbm>>
    tpu.enqueue_indirect_dma source(%dma_start3A_48 : memref<100000x128xf32, #tpu.memory_space<hbm>>) target(%dma_start3A_42 : memref<128x128xf32, #tpu.memory_space<vmem>>) offsets(%dma_start3A_45 : memref<128xi32, #tpu.memory_space<vmem>>) semaphore(%arg9 : memref<!tpu.dma_semaphore, #tpu.memory_space<semaphore_mem>>)
    %scan3A = arith.constant 0 : i32
    %scan3A_49 = arith.constant 0 : i32
    %scan3A_50 = arith.constant 50 : i32
    %scan3A_51 = arith.addi %scan3A_49, %scan3A_50 : i32
    %scan3A_52 = arith.constant 1 : i32
    %scan3A_53 = scf.for %scan3A_114 = %scan3A_49 to %scan3A_51 step %scan3A_52 iter_args(%scan3A_115 = %scan3A) -> (i32)  : i32 {
      %mul3A_116 = arith.constant 4 : i32
      %mul3A_117 = arith.muli %scan3A_114, %mul3A_116 : i32
      %add3A_118 = arith.constant 0 : i32
      %add3A_119 = arith.addi %mul3A_117, %add3A_118 : i32
      %add3A_120 = arith.constant 4 : i32
      %add3A_121 = arith.addi %add3A_119, %add3A_120 : i32
      %sub3A = arith.constant 1 : i32
      %sub3A_122 = arith.subi %add3A_121, %sub3A : i32
      %lt3A = arith.constant 200 : i32
      %lt3A_123 = arith.cmpi slt, %sub3A_122, %lt3A : i32
      %ge3A = arith.constant 1 : i32
      %ge3A_124 = arith.cmpi sge, %add3A_119, %ge3A : i32
      %and3A = arith.andi %lt3A_123, %ge3A_124 : i1
      %convert_element_type3A = arith.extui %and3A : i1 to i32
      %cond3A = arith.constant 0 : i32
      %cond3A_125 = arith.cmpi ne, %convert_element_type3A, %cond3A : i32
      scf.if %cond3A_125 {
        %sub3A_331 = arith.constant 1 : i32
        %sub3A_332 = arith.subi %add3A_119, %sub3A_331 : i32
        %mul3A_333 = arith.constant 128 : i32
        %mul3A_334 = arith.muli %sub3A_332, %mul3A_333 : i32
        %add3A_335 = arith.addi %mul3A_4, %mul3A_334 : i32
        %dma_wait3A_336 = arith.constant 3 : i32
        %dma_wait3A_337 = arith.constant 0 : i32
        %dma_wait3A_338 = arith.constant 0 : i32
        %dma_wait3A_339 = tpu.memref_slice %arg6[%dma_wait3A_336, %dma_wait3A_337, %dma_wait3A_338] : memref<4x128x128xf32, #tpu.memory_space<vmem>> -> memref<1x128x128xf32, #tpu.memory_space<vmem>>
        %dma_wait3A_340 = tpu.memref_squeeze %dma_wait3A_339 : memref<1x128x128xf32, #tpu.memory_space<vmem>> -> memref<128x128xf32, #tpu.memory_space<vmem>>
        %dma_wait3A_341 = arith.constant 0 : i32
        %dma_wait3A_342 = tpu.memref_slice %arg4[%add3A_335, %dma_wait3A_341] : memref<819200x128xf32, #tpu.memory_space<hbm>> -> memref<128x128xf32, #tpu.memory_space<hbm>>
        %dma_wait3A_343 = arith.constant 0 : i32
        %dma_wait3A_344 = tpu.memref_slice %arg4[%add3A_335, %dma_wait3A_343] : memref<819200x128xf32, #tpu.memory_space<hbm>> -> memref<128x128xf32, #tpu.memory_space<hbm>>
        %dma_wait3A_345 = arith.constant 0 : i32
        %dma_wait3A_346 = arith.constant 0 : i32
        %dma_wait3A_347 = tpu.memref_slice %arg6[%dma_wait3A_336, %dma_wait3A_345, %dma_wait3A_346] : memref<4x128x128xf32, #tpu.memory_space<vmem>> -> memref<1x128x128xf32, #tpu.memory_space<vmem>>
        %dma_wait3A_348 = tpu.memref_squeeze %dma_wait3A_347 : memref<1x128x128xf32, #tpu.memory_space<vmem>> -> memref<128x128xf32, #tpu.memory_space<vmem>>
        tpu.wait_dma2 semaphore(%arg14 : memref<!tpu.dma_semaphore, #tpu.memory_space<semaphore_mem>>) src(%dma_wait3A_348 : memref<128x128xf32, #tpu.memory_space<vmem>>) dst(%dma_wait3A_344 : memref<128x128xf32, #tpu.memory_space<hbm>>)
      } else {
      }
      %lt3A_126 = arith.constant 200 : i32
      %lt3A_127 = arith.cmpi slt, %sub3A_122, %lt3A_126 : i32
      %convert_element_type3A_128 = arith.extui %lt3A_127 : i1 to i32
      %cond3A_129 = arith.constant 0 : i32
      %cond3A_130 = arith.cmpi ne, %convert_element_type3A_128, %cond3A_129 : i32
      scf.if %cond3A_130 {
        %mul3A_331 = arith.constant 1 : i32
        %mul3A_332 = arith.muli %sub3A_122, %mul3A_331 : i32
        %add3A_333 = arith.constant 0 : i32
        %add3A_334 = arith.addi %mul3A_332, %add3A_333 : i32
        %dma_start3A_335 = arith.constant 3 : i32
        %dma_start3A_336 = arith.constant 0 : i32
        %dma_start3A_337 = arith.constant 0 : i32
        %dma_start3A_338 = tpu.memref_slice %arg6[%dma_start3A_335, %dma_start3A_336, %dma_start3A_337] : memref<4x128x128xf32, #tpu.memory_space<vmem>> -> memref<1x128x128xf32, #tpu.memory_space<vmem>>
        %dma_start3A_339 = tpu.memref_squeeze %dma_start3A_338 : memref<1x128x128xf32, #tpu.memory_space<vmem>> -> memref<128x128xf32, #tpu.memory_space<vmem>>
        %dma_start3A_340 = arith.constant 0 : i32
        %dma_start3A_341 = arith.constant 0 : i32
        %dma_start3A_342 = tpu.memref_slice %dma_start3A_339[%dma_start3A_340, %dma_start3A_341] : memref<128x128xf32, #tpu.memory_space<vmem>> -> memref<128x128xf32, #tpu.memory_space<vmem>>
        %dma_start3A_343 = arith.constant 0 : i32
        %dma_start3A_344 = tpu.memref_slice %arg5[%add3A_334, %dma_start3A_343] : memref<200x128xi32, #tpu.memory_space<vmem>> -> memref<1x128xi32, #tpu.memory_space<vmem>>
        %dma_start3A_345 = tpu.memref_squeeze %dma_start3A_344 : memref<1x128xi32, #tpu.memory_space<vmem>> -> memref<128xi32, #tpu.memory_space<vmem>>
        %dma_start3A_346 = arith.constant 0 : i32
        %dma_start3A_347 = arith.constant 0 : i32
        %dma_start3A_348 = tpu.memref_slice %arg3[%dma_start3A_346, %dma_start3A_347] : memref<100000x128xf32, #tpu.memory_space<hbm>> -> memref<100000x128xf32, #tpu.memory_space<hbm>>
        tpu.enqueue_indirect_dma source(%dma_start3A_348 : memref<100000x128xf32, #tpu.memory_space<hbm>>) target(%dma_start3A_342 : memref<128x128xf32, #tpu.memory_space<vmem>>) offsets(%dma_start3A_345 : memref<128xi32, #tpu.memory_space<vmem>>) semaphore(%arg10 : memref<!tpu.dma_semaphore, #tpu.memory_space<semaphore_mem>>)
      } else {
      }
      %mul3A_131 = arith.constant 1 : i32
      %mul3A_132 = arith.muli %add3A_119, %mul3A_131 : i32
      %add3A_133 = arith.constant 0 : i32
      %add3A_134 = arith.addi %mul3A_132, %add3A_133 : i32
      %dma_wait3A_135 = arith.constant 0 : i32
      %dma_wait3A_136 = arith.constant 0 : i32
      %dma_wait3A_137 = arith.constant 0 : i32
      %dma_wait3A_138 = tpu.memref_slice %arg6[%dma_wait3A_135, %dma_wait3A_136, %dma_wait3A_137] : memref<4x128x128xf32, #tpu.memory_space<vmem>> -> memref<1x128x128xf32, #tpu.memory_space<vmem>>
      %dma_wait3A_139 = tpu.memref_squeeze %dma_wait3A_138 : memref<1x128x128xf32, #tpu.memory_space<vmem>> -> memref<128x128xf32, #tpu.memory_space<vmem>>
      %dma_wait3A_140 = arith.constant 0 : i32
      %dma_wait3A_141 = arith.constant 0 : i32
      %dma_wait3A_142 = tpu.memref_slice %dma_wait3A_139[%dma_wait3A_140, %dma_wait3A_141] : memref<128x128xf32, #tpu.memory_space<vmem>> -> memref<128x128xf32, #tpu.memory_space<vmem>>
      %dma_wait3A_143 = arith.constant 0 : i32
      %dma_wait3A_144 = tpu.memref_slice %arg5[%add3A_134, %dma_wait3A_143] : memref<200x128xi32, #tpu.memory_space<vmem>> -> memref<1x128xi32, #tpu.memory_space<vmem>>
      %dma_wait3A_145 = tpu.memref_squeeze %dma_wait3A_144 : memref<1x128xi32, #tpu.memory_space<vmem>> -> memref<128xi32, #tpu.memory_space<vmem>>
      %dma_wait3A_146 = arith.constant 0 : i32
      %dma_wait3A_147 = arith.constant 0 : i32
      %dma_wait3A_148 = tpu.memref_slice %arg3[%dma_wait3A_146, %dma_wait3A_147] : memref<100000x128xf32, #tpu.memory_space<hbm>> -> memref<100000x128xf32, #tpu.memory_space<hbm>>
      tpu.wait_indirect_dma semaphore(%arg7 : memref<!tpu.dma_semaphore, #tpu.memory_space<semaphore_mem>>) src(%dma_wait3A_148 : memref<100000x128xf32, #tpu.memory_space<hbm>>) dst(%dma_wait3A_142 : memref<128x128xf32, #tpu.memory_space<vmem>>)
      %mul3A_149 = arith.constant 128 : i32
      %mul3A_150 = arith.muli %add3A_119, %mul3A_149 : i32
      %add3A_151 = arith.addi %mul3A_4, %mul3A_150 : i32
      %dma_start3A_152 = arith.constant 0 : i32
      %dma_start3A_153 = arith.constant 0 : i32
      %dma_start3A_154 = arith.constant 0 : i32
      %dma_start3A_155 = tpu.memref_slice %arg6[%dma_start3A_152, %dma_start3A_153, %dma_start3A_154] : memref<4x128x128xf32, #tpu.memory_space<vmem>> -> memref<1x128x128xf32, #tpu.memory_space<vmem>>
      %dma_start3A_156 = tpu.memref_squeeze %dma_start3A_155 : memref<1x128x128xf32, #tpu.memory_space<vmem>> -> memref<128x128xf32, #tpu.memory_space<vmem>>
      %dma_start3A_157 = arith.constant 0 : i32
      %dma_start3A_158 = tpu.memref_slice %arg4[%add3A_151, %dma_start3A_157] : memref<819200x128xf32, #tpu.memory_space<hbm>> -> memref<128x128xf32, #tpu.memory_space<hbm>>
      %dma_start3A_159 = arith.constant 0 : i32
      %dma_start3A_160 = tpu.memref_slice %arg4[%add3A_151, %dma_start3A_159] : memref<819200x128xf32, #tpu.memory_space<hbm>> -> memref<128x128xf32, #tpu.memory_space<hbm>>
      %dma_start3A_161 = arith.constant 0 : i32
      %dma_start3A_162 = arith.constant 0 : i32
      %dma_start3A_163 = tpu.memref_slice %arg6[%dma_start3A_152, %dma_start3A_161, %dma_start3A_162] : memref<4x128x128xf32, #tpu.memory_space<vmem>> -> memref<1x128x128xf32, #tpu.memory_space<vmem>>
      %dma_start3A_164 = tpu.memref_squeeze %dma_start3A_163 : memref<1x128x128xf32, #tpu.memory_space<vmem>> -> memref<128x128xf32, #tpu.memory_space<vmem>>
      tpu.enqueue_dma source(%dma_start3A_164 : memref<128x128xf32, #tpu.memory_space<vmem>>) target(%dma_start3A_160 : memref<128x128xf32, #tpu.memory_space<hbm>>) target_semaphore(%arg11 : memref<!tpu.dma_semaphore, #tpu.memory_space<semaphore_mem>>)
      %mul3A_165 = arith.constant 4 : i32
      %mul3A_166 = arith.muli %scan3A_114, %mul3A_165 : i32
      %add3A_167 = arith.constant 1 : i32
      %add3A_168 = arith.addi %mul3A_166, %add3A_167 : i32
      %add3A_169 = arith.constant 4 : i32
      %add3A_170 = arith.addi %add3A_168, %add3A_169 : i32
      %sub3A_171 = arith.constant 1 : i32
      %sub3A_172 = arith.subi %add3A_170, %sub3A_171 : i32
      %lt3A_173 = arith.constant 200 : i32
      %lt3A_174 = arith.cmpi slt, %sub3A_172, %lt3A_173 : i32
      %ge3A_175 = arith.constant 1 : i32
      %ge3A_176 = arith.cmpi sge, %add3A_168, %ge3A_175 : i32
      %and3A_177 = arith.andi %lt3A_174, %ge3A_176 : i1
      %convert_element_type3A_178 = arith.extui %and3A_177 : i1 to i32
      %cond3A_179 = arith.constant 0 : i32
      %cond3A_180 = arith.cmpi ne, %convert_element_type3A_178, %cond3A_179 : i32
      scf.if %cond3A_180 {
        %sub3A_331 = arith.constant 1 : i32
        %sub3A_332 = arith.subi %add3A_168, %sub3A_331 : i32
        %mul3A_333 = arith.constant 128 : i32
        %mul3A_334 = arith.muli %sub3A_332, %mul3A_333 : i32
        %add3A_335 = arith.addi %mul3A_4, %mul3A_334 : i32
        %dma_wait3A_336 = arith.constant 0 : i32
        %dma_wait3A_337 = arith.constant 0 : i32
        %dma_wait3A_338 = arith.constant 0 : i32
        %dma_wait3A_339 = tpu.memref_slice %arg6[%dma_wait3A_336, %dma_wait3A_337, %dma_wait3A_338] : memref<4x128x128xf32, #tpu.memory_space<vmem>> -> memref<1x128x128xf32, #tpu.memory_space<vmem>>
        %dma_wait3A_340 = tpu.memref_squeeze %dma_wait3A_339 : memref<1x128x128xf32, #tpu.memory_space<vmem>> -> memref<128x128xf32, #tpu.memory_space<vmem>>
        %dma_wait3A_341 = arith.constant 0 : i32
        %dma_wait3A_342 = tpu.memref_slice %arg4[%add3A_335, %dma_wait3A_341] : memref<819200x128xf32, #tpu.memory_space<hbm>> -> memref<128x128xf32, #tpu.memory_space<hbm>>
        %dma_wait3A_343 = arith.constant 0 : i32
        %dma_wait3A_344 = tpu.memref_slice %arg4[%add3A_335, %dma_wait3A_343] : memref<819200x128xf32, #tpu.memory_space<hbm>> -> memref<128x128xf32, #tpu.memory_space<hbm>>
        %dma_wait3A_345 = arith.constant 0 : i32
        %dma_wait3A_346 = arith.constant 0 : i32
        %dma_wait3A_347 = tpu.memref_slice %arg6[%dma_wait3A_336, %dma_wait3A_345, %dma_wait3A_346] : memref<4x128x128xf32, #tpu.memory_space<vmem>> -> memref<1x128x128xf32, #tpu.memory_space<vmem>>
        %dma_wait3A_348 = tpu.memref_squeeze %dma_wait3A_347 : memref<1x128x128xf32, #tpu.memory_space<vmem>> -> memref<128x128xf32, #tpu.memory_space<vmem>>
        tpu.wait_dma2 semaphore(%arg11 : memref<!tpu.dma_semaphore, #tpu.memory_space<semaphore_mem>>) src(%dma_wait3A_348 : memref<128x128xf32, #tpu.memory_space<vmem>>) dst(%dma_wait3A_344 : memref<128x128xf32, #tpu.memory_space<hbm>>)
      } else {
      }
      %lt3A_181 = arith.constant 200 : i32
      %lt3A_182 = arith.cmpi slt, %sub3A_172, %lt3A_181 : i32
      %convert_element_type3A_183 = arith.extui %lt3A_182 : i1 to i32
      %cond3A_184 = arith.constant 0 : i32
      %cond3A_185 = arith.cmpi ne, %convert_element_type3A_183, %cond3A_184 : i32
      scf.if %cond3A_185 {
        %mul3A_331 = arith.constant 1 : i32
        %mul3A_332 = arith.muli %sub3A_172, %mul3A_331 : i32
        %add3A_333 = arith.constant 0 : i32
        %add3A_334 = arith.addi %mul3A_332, %add3A_333 : i32
        %dma_start3A_335 = arith.constant 0 : i32
        %dma_start3A_336 = arith.constant 0 : i32
        %dma_start3A_337 = arith.constant 0 : i32
        %dma_start3A_338 = tpu.memref_slice %arg6[%dma_start3A_335, %dma_start3A_336, %dma_start3A_337] : memref<4x128x128xf32, #tpu.memory_space<vmem>> -> memref<1x128x128xf32, #tpu.memory_space<vmem>>
        %dma_start3A_339 = tpu.memref_squeeze %dma_start3A_338 : memref<1x128x128xf32, #tpu.memory_space<vmem>> -> memref<128x128xf32, #tpu.memory_space<vmem>>
        %dma_start3A_340 = arith.constant 0 : i32
        %dma_start3A_341 = arith.constant 0 : i32
        %dma_start3A_342 = tpu.memref_slice %dma_start3A_339[%dma_start3A_340, %dma_start3A_341] : memref<128x128xf32, #tpu.memory_space<vmem>> -> memref<128x128xf32, #tpu.memory_space<vmem>>
        %dma_start3A_343 = arith.constant 0 : i32
        %dma_start3A_344 = tpu.memref_slice %arg5[%add3A_334, %dma_start3A_343] : memref<200x128xi32, #tpu.memory_space<vmem>> -> memref<1x128xi32, #tpu.memory_space<vmem>>
        %dma_start3A_345 = tpu.memref_squeeze %dma_start3A_344 : memref<1x128xi32, #tpu.memory_space<vmem>> -> memref<128xi32, #tpu.memory_space<vmem>>
        %dma_start3A_346 = arith.constant 0 : i32
        %dma_start3A_347 = arith.constant 0 : i32
        %dma_start3A_348 = tpu.memref_slice %arg3[%dma_start3A_346, %dma_start3A_347] : memref<100000x128xf32, #tpu.memory_space<hbm>> -> memref<100000x128xf32, #tpu.memory_space<hbm>>
        tpu.enqueue_indirect_dma source(%dma_start3A_348 : memref<100000x128xf32, #tpu.memory_space<hbm>>) target(%dma_start3A_342 : memref<128x128xf32, #tpu.memory_space<vmem>>) offsets(%dma_start3A_345 : memref<128xi32, #tpu.memory_space<vmem>>) semaphore(%arg7 : memref<!tpu.dma_semaphore, #tpu.memory_space<semaphore_mem>>)
      } else {
      }
      %mul3A_186 = arith.constant 1 : i32
      %mul3A_187 = arith.muli %add3A_168, %mul3A_186 : i32
      %add3A_188 = arith.constant 0 : i32
      %add3A_189 = arith.addi %mul3A_187, %add3A_188 : i32
      %dma_wait3A_190 = arith.constant 1 : i32
      %dma_wait3A_191 = arith.constant 0 : i32
      %dma_wait3A_192 = arith.constant 0 : i32
      %dma_wait3A_193 = tpu.memref_slice %arg6[%dma_wait3A_190, %dma_wait3A_191, %dma_wait3A_192] : memref<4x128x128xf32, #tpu.memory_space<vmem>> -> memref<1x128x128xf32, #tpu.memory_space<vmem>>
      %dma_wait3A_194 = tpu.memref_squeeze %dma_wait3A_193 : memref<1x128x128xf32, #tpu.memory_space<vmem>> -> memref<128x128xf32, #tpu.memory_space<vmem>>
      %dma_wait3A_195 = arith.constant 0 : i32
      %dma_wait3A_196 = arith.constant 0 : i32
      %dma_wait3A_197 = tpu.memref_slice %dma_wait3A_194[%dma_wait3A_195, %dma_wait3A_196] : memref<128x128xf32, #tpu.memory_space<vmem>> -> memref<128x128xf32, #tpu.memory_space<vmem>>
      %dma_wait3A_198 = arith.constant 0 : i32
      %dma_wait3A_199 = tpu.memref_slice %arg5[%add3A_189, %dma_wait3A_198] : memref<200x128xi32, #tpu.memory_space<vmem>> -> memref<1x128xi32, #tpu.memory_space<vmem>>
      %dma_wait3A_200 = tpu.memref_squeeze %dma_wait3A_199 : memref<1x128xi32, #tpu.memory_space<vmem>> -> memref<128xi32, #tpu.memory_space<vmem>>
      %dma_wait3A_201 = arith.constant 0 : i32
      %dma_wait3A_202 = arith.constant 0 : i32
      %dma_wait3A_203 = tpu.memref_slice %arg3[%dma_wait3A_201, %dma_wait3A_202] : memref<100000x128xf32, #tpu.memory_space<hbm>> -> memref<100000x128xf32, #tpu.memory_space<hbm>>
      tpu.wait_indirect_dma semaphore(%arg8 : memref<!tpu.dma_semaphore, #tpu.memory_space<semaphore_mem>>) src(%dma_wait3A_203 : memref<100000x128xf32, #tpu.memory_space<hbm>>) dst(%dma_wait3A_197 : memref<128x128xf32, #tpu.memory_space<vmem>>)
      %mul3A_204 = arith.constant 128 : i32
      %mul3A_205 = arith.muli %add3A_168, %mul3A_204 : i32
      %add3A_206 = arith.addi %mul3A_4, %mul3A_205 : i32
      %dma_start3A_207 = arith.constant 1 : i32
      %dma_start3A_208 = arith.constant 0 : i32
      %dma_start3A_209 = arith.constant 0 : i32
      %dma_start3A_210 = tpu.memref_slice %arg6[%dma_start3A_207, %dma_start3A_208, %dma_start3A_209] : memref<4x128x128xf32, #tpu.memory_space<vmem>> -> memref<1x128x128xf32, #tpu.memory_space<vmem>>
      %dma_start3A_211 = tpu.memref_squeeze %dma_start3A_210 : memref<1x128x128xf32, #tpu.memory_space<vmem>> -> memref<128x128xf32, #tpu.memory_space<vmem>>
      %dma_start3A_212 = arith.constant 0 : i32
      %dma_start3A_213 = tpu.memref_slice %arg4[%add3A_206, %dma_start3A_212] : memref<819200x128xf32, #tpu.memory_space<hbm>> -> memref<128x128xf32, #tpu.memory_space<hbm>>
      %dma_start3A_214 = arith.constant 0 : i32
      %dma_start3A_215 = tpu.memref_slice %arg4[%add3A_206, %dma_start3A_214] : memref<819200x128xf32, #tpu.memory_space<hbm>> -> memref<128x128xf32, #tpu.memory_space<hbm>>
      %dma_start3A_216 = arith.constant 0 : i32
      %dma_start3A_217 = arith.constant 0 : i32
      %dma_start3A_218 = tpu.memref_slice %arg6[%dma_start3A_207, %dma_start3A_216, %dma_start3A_217] : memref<4x128x128xf32, #tpu.memory_space<vmem>> -> memref<1x128x128xf32, #tpu.memory_space<vmem>>
      %dma_start3A_219 = tpu.memref_squeeze %dma_start3A_218 : memref<1x128x128xf32, #tpu.memory_space<vmem>> -> memref<128x128xf32, #tpu.memory_space<vmem>>
      tpu.enqueue_dma source(%dma_start3A_219 : memref<128x128xf32, #tpu.memory_space<vmem>>) target(%dma_start3A_215 : memref<128x128xf32, #tpu.memory_space<hbm>>) target_semaphore(%arg12 : memref<!tpu.dma_semaphore, #tpu.memory_space<semaphore_mem>>)
      %mul3A_220 = arith.constant 4 : i32
      %mul3A_221 = arith.muli %scan3A_114, %mul3A_220 : i32
      %add3A_222 = arith.constant 2 : i32
      %add3A_223 = arith.addi %mul3A_221, %add3A_222 : i32
      %add3A_224 = arith.constant 4 : i32
      %add3A_225 = arith.addi %add3A_223, %add3A_224 : i32
      %sub3A_226 = arith.constant 1 : i32
      %sub3A_227 = arith.subi %add3A_225, %sub3A_226 : i32
      %lt3A_228 = arith.constant 200 : i32
      %lt3A_229 = arith.cmpi slt, %sub3A_227, %lt3A_228 : i32
      %ge3A_230 = arith.constant 1 : i32
      %ge3A_231 = arith.cmpi sge, %add3A_223, %ge3A_230 : i32
      %and3A_232 = arith.andi %lt3A_229, %ge3A_231 : i1
      %convert_element_type3A_233 = arith.extui %and3A_232 : i1 to i32
      %cond3A_234 = arith.constant 0 : i32
      %cond3A_235 = arith.cmpi ne, %convert_element_type3A_233, %cond3A_234 : i32
      scf.if %cond3A_235 {
        %sub3A_331 = arith.constant 1 : i32
        %sub3A_332 = arith.subi %add3A_223, %sub3A_331 : i32
        %mul3A_333 = arith.constant 128 : i32
        %mul3A_334 = arith.muli %sub3A_332, %mul3A_333 : i32
        %add3A_335 = arith.addi %mul3A_4, %mul3A_334 : i32
        %dma_wait3A_336 = arith.constant 1 : i32
        %dma_wait3A_337 = arith.constant 0 : i32
        %dma_wait3A_338 = arith.constant 0 : i32
        %dma_wait3A_339 = tpu.memref_slice %arg6[%dma_wait3A_336, %dma_wait3A_337, %dma_wait3A_338] : memref<4x128x128xf32, #tpu.memory_space<vmem>> -> memref<1x128x128xf32, #tpu.memory_space<vmem>>
        %dma_wait3A_340 = tpu.memref_squeeze %dma_wait3A_339 : memref<1x128x128xf32, #tpu.memory_space<vmem>> -> memref<128x128xf32, #tpu.memory_space<vmem>>
        %dma_wait3A_341 = arith.constant 0 : i32
        %dma_wait3A_342 = tpu.memref_slice %arg4[%add3A_335, %dma_wait3A_341] : memref<819200x128xf32, #tpu.memory_space<hbm>> -> memref<128x128xf32, #tpu.memory_space<hbm>>
        %dma_wait3A_343 = arith.constant 0 : i32
        %dma_wait3A_344 = tpu.memref_slice %arg4[%add3A_335, %dma_wait3A_343] : memref<819200x128xf32, #tpu.memory_space<hbm>> -> memref<128x128xf32, #tpu.memory_space<hbm>>
        %dma_wait3A_345 = arith.constant 0 : i32
        %dma_wait3A_346 = arith.constant 0 : i32
        %dma_wait3A_347 = tpu.memref_slice %arg6[%dma_wait3A_336, %dma_wait3A_345, %dma_wait3A_346] : memref<4x128x128xf32, #tpu.memory_space<vmem>> -> memref<1x128x128xf32, #tpu.memory_space<vmem>>
        %dma_wait3A_348 = tpu.memref_squeeze %dma_wait3A_347 : memref<1x128x128xf32, #tpu.memory_space<vmem>> -> memref<128x128xf32, #tpu.memory_space<vmem>>
        tpu.wait_dma2 semaphore(%arg12 : memref<!tpu.dma_semaphore, #tpu.memory_space<semaphore_mem>>) src(%dma_wait3A_348 : memref<128x128xf32, #tpu.memory_space<vmem>>) dst(%dma_wait3A_344 : memref<128x128xf32, #tpu.memory_space<hbm>>)
      } else {
      }
      %lt3A_236 = arith.constant 200 : i32
      %lt3A_237 = arith.cmpi slt, %sub3A_227, %lt3A_236 : i32
      %convert_element_type3A_238 = arith.extui %lt3A_237 : i1 to i32
      %cond3A_239 = arith.constant 0 : i32
      %cond3A_240 = arith.cmpi ne, %convert_element_type3A_238, %cond3A_239 : i32
      scf.if %cond3A_240 {
        %mul3A_331 = arith.constant 1 : i32
        %mul3A_332 = arith.muli %sub3A_227, %mul3A_331 : i32
        %add3A_333 = arith.constant 0 : i32
        %add3A_334 = arith.addi %mul3A_332, %add3A_333 : i32
        %dma_start3A_335 = arith.constant 1 : i32
        %dma_start3A_336 = arith.constant 0 : i32
        %dma_start3A_337 = arith.constant 0 : i32
        %dma_start3A_338 = tpu.memref_slice %arg6[%dma_start3A_335, %dma_start3A_336, %dma_start3A_337] : memref<4x128x128xf32, #tpu.memory_space<vmem>> -> memref<1x128x128xf32, #tpu.memory_space<vmem>>
        %dma_start3A_339 = tpu.memref_squeeze %dma_start3A_338 : memref<1x128x128xf32, #tpu.memory_space<vmem>> -> memref<128x128xf32, #tpu.memory_space<vmem>>
        %dma_start3A_340 = arith.constant 0 : i32
        %dma_start3A_341 = arith.constant 0 : i32
        %dma_start3A_342 = tpu.memref_slice %dma_start3A_339[%dma_start3A_340, %dma_start3A_341] : memref<128x128xf32, #tpu.memory_space<vmem>> -> memref<128x128xf32, #tpu.memory_space<vmem>>
        %dma_start3A_343 = arith.constant 0 : i32
        %dma_start3A_344 = tpu.memref_slice %arg5[%add3A_334, %dma_start3A_343] : memref<200x128xi32, #tpu.memory_space<vmem>> -> memref<1x128xi32, #tpu.memory_space<vmem>>
        %dma_start3A_345 = tpu.memref_squeeze %dma_start3A_344 : memref<1x128xi32, #tpu.memory_space<vmem>> -> memref<128xi32, #tpu.memory_space<vmem>>
        %dma_start3A_346 = arith.constant 0 : i32
        %dma_start3A_347 = arith.constant 0 : i32
        %dma_start3A_348 = tpu.memref_slice %arg3[%dma_start3A_346, %dma_start3A_347] : memref<100000x128xf32, #tpu.memory_space<hbm>> -> memref<100000x128xf32, #tpu.memory_space<hbm>>
        tpu.enqueue_indirect_dma source(%dma_start3A_348 : memref<100000x128xf32, #tpu.memory_space<hbm>>) target(%dma_start3A_342 : memref<128x128xf32, #tpu.memory_space<vmem>>) offsets(%dma_start3A_345 : memref<128xi32, #tpu.memory_space<vmem>>) semaphore(%arg8 : memref<!tpu.dma_semaphore, #tpu.memory_space<semaphore_mem>>)
      } else {
      }
      %mul3A_241 = arith.constant 1 : i32
      %mul3A_242 = arith.muli %add3A_223, %mul3A_241 : i32
      %add3A_243 = arith.constant 0 : i32
      %add3A_244 = arith.addi %mul3A_242, %add3A_243 : i32
      %dma_wait3A_245 = arith.constant 2 : i32
      %dma_wait3A_246 = arith.constant 0 : i32
      %dma_wait3A_247 = arith.constant 0 : i32
      %dma_wait3A_248 = tpu.memref_slice %arg6[%dma_wait3A_245, %dma_wait3A_246, %dma_wait3A_247] : memref<4x128x128xf32, #tpu.memory_space<vmem>> -> memref<1x128x128xf32, #tpu.memory_space<vmem>>
      %dma_wait3A_249 = tpu.memref_squeeze %dma_wait3A_248 : memref<1x128x128xf32, #tpu.memory_space<vmem>> -> memref<128x128xf32, #tpu.memory_space<vmem>>
      %dma_wait3A_250 = arith.constant 0 : i32
      %dma_wait3A_251 = arith.constant 0 : i32
      %dma_wait3A_252 = tpu.memref_slice %dma_wait3A_249[%dma_wait3A_250, %dma_wait3A_251] : memref<128x128xf32, #tpu.memory_space<vmem>> -> memref<128x128xf32, #tpu.memory_space<vmem>>
      %dma_wait3A_253 = arith.constant 0 : i32
      %dma_wait3A_254 = tpu.memref_slice %arg5[%add3A_244, %dma_wait3A_253] : memref<200x128xi32, #tpu.memory_space<vmem>> -> memref<1x128xi32, #tpu.memory_space<vmem>>
      %dma_wait3A_255 = tpu.memref_squeeze %dma_wait3A_254 : memref<1x128xi32, #tpu.memory_space<vmem>> -> memref<128xi32, #tpu.memory_space<vmem>>
      %dma_wait3A_256 = arith.constant 0 : i32
      %dma_wait3A_257 = arith.constant 0 : i32
      %dma_wait3A_258 = tpu.memref_slice %arg3[%dma_wait3A_256, %dma_wait3A_257] : memref<100000x128xf32, #tpu.memory_space<hbm>> -> memref<100000x128xf32, #tpu.memory_space<hbm>>
      tpu.wait_indirect_dma semaphore(%arg9 : memref<!tpu.dma_semaphore, #tpu.memory_space<semaphore_mem>>) src(%dma_wait3A_258 : memref<100000x128xf32, #tpu.memory_space<hbm>>) dst(%dma_wait3A_252 : memref<128x128xf32, #tpu.memory_space<vmem>>)
      %mul3A_259 = arith.constant 128 : i32
      %mul3A_260 = arith.muli %add3A_223, %mul3A_259 : i32
      %add3A_261 = arith.addi %mul3A_4, %mul3A_260 : i32
      %dma_start3A_262 = arith.constant 2 : i32
      %dma_start3A_263 = arith.constant 0 : i32
      %dma_start3A_264 = arith.constant 0 : i32
      %dma_start3A_265 = tpu.memref_slice %arg6[%dma_start3A_262, %dma_start3A_263, %dma_start3A_264] : memref<4x128x128xf32, #tpu.memory_space<vmem>> -> memref<1x128x128xf32, #tpu.memory_space<vmem>>
      %dma_start3A_266 = tpu.memref_squeeze %dma_start3A_265 : memref<1x128x128xf32, #tpu.memory_space<vmem>> -> memref<128x128xf32, #tpu.memory_space<vmem>>
      %dma_start3A_267 = arith.constant 0 : i32
      %dma_start3A_268 = tpu.memref_slice %arg4[%add3A_261, %dma_start3A_267] : memref<819200x128xf32, #tpu.memory_space<hbm>> -> memref<128x128xf32, #tpu.memory_space<hbm>>
      %dma_start3A_269 = arith.constant 0 : i32
      %dma_start3A_270 = tpu.memref_slice %arg4[%add3A_261, %dma_start3A_269] : memref<819200x128xf32, #tpu.memory_space<hbm>> -> memref<128x128xf32, #tpu.memory_space<hbm>>
      %dma_start3A_271 = arith.constant 0 : i32
      %dma_start3A_272 = arith.constant 0 : i32
      %dma_start3A_273 = tpu.memref_slice %arg6[%dma_start3A_262, %dma_start3A_271, %dma_start3A_272] : memref<4x128x128xf32, #tpu.memory_space<vmem>> -> memref<1x128x128xf32, #tpu.memory_space<vmem>>
      %dma_start3A_274 = tpu.memref_squeeze %dma_start3A_273 : memref<1x128x128xf32, #tpu.memory_space<vmem>> -> memref<128x128xf32, #tpu.memory_space<vmem>>
      tpu.enqueue_dma source(%dma_start3A_274 : memref<128x128xf32, #tpu.memory_space<vmem>>) target(%dma_start3A_270 : memref<128x128xf32, #tpu.memory_space<hbm>>) target_semaphore(%arg13 : memref<!tpu.dma_semaphore, #tpu.memory_space<semaphore_mem>>)
      %mul3A_275 = arith.constant 4 : i32
      %mul3A_276 = arith.muli %scan3A_114, %mul3A_275 : i32
      %add3A_277 = arith.constant 3 : i32
      %add3A_278 = arith.addi %mul3A_276, %add3A_277 : i32
      %add3A_279 = arith.constant 4 : i32
      %add3A_280 = arith.addi %add3A_278, %add3A_279 : i32
      %sub3A_281 = arith.constant 1 : i32
      %sub3A_282 = arith.subi %add3A_280, %sub3A_281 : i32
      %lt3A_283 = arith.constant 200 : i32
      %lt3A_284 = arith.cmpi slt, %sub3A_282, %lt3A_283 : i32
      %ge3A_285 = arith.constant 1 : i32
      %ge3A_286 = arith.cmpi sge, %add3A_278, %ge3A_285 : i32
      %and3A_287 = arith.andi %lt3A_284, %ge3A_286 : i1
      %convert_element_type3A_288 = arith.extui %and3A_287 : i1 to i32
      %cond3A_289 = arith.constant 0 : i32
      %cond3A_290 = arith.cmpi ne, %convert_element_type3A_288, %cond3A_289 : i32
      scf.if %cond3A_290 {
        %sub3A_331 = arith.constant 1 : i32
        %sub3A_332 = arith.subi %add3A_278, %sub3A_331 : i32
        %mul3A_333 = arith.constant 128 : i32
        %mul3A_334 = arith.muli %sub3A_332, %mul3A_333 : i32
        %add3A_335 = arith.addi %mul3A_4, %mul3A_334 : i32
        %dma_wait3A_336 = arith.constant 2 : i32
        %dma_wait3A_337 = arith.constant 0 : i32
        %dma_wait3A_338 = arith.constant 0 : i32
        %dma_wait3A_339 = tpu.memref_slice %arg6[%dma_wait3A_336, %dma_wait3A_337, %dma_wait3A_338] : memref<4x128x128xf32, #tpu.memory_space<vmem>> -> memref<1x128x128xf32, #tpu.memory_space<vmem>>
        %dma_wait3A_340 = tpu.memref_squeeze %dma_wait3A_339 : memref<1x128x128xf32, #tpu.memory_space<vmem>> -> memref<128x128xf32, #tpu.memory_space<vmem>>
        %dma_wait3A_341 = arith.constant 0 : i32
        %dma_wait3A_342 = tpu.memref_slice %arg4[%add3A_335, %dma_wait3A_341] : memref<819200x128xf32, #tpu.memory_space<hbm>> -> memref<128x128xf32, #tpu.memory_space<hbm>>
        %dma_wait3A_343 = arith.constant 0 : i32
        %dma_wait3A_344 = tpu.memref_slice %arg4[%add3A_335, %dma_wait3A_343] : memref<819200x128xf32, #tpu.memory_space<hbm>> -> memref<128x128xf32, #tpu.memory_space<hbm>>
        %dma_wait3A_345 = arith.constant 0 : i32
        %dma_wait3A_346 = arith.constant 0 : i32
        %dma_wait3A_347 = tpu.memref_slice %arg6[%dma_wait3A_336, %dma_wait3A_345, %dma_wait3A_346] : memref<4x128x128xf32, #tpu.memory_space<vmem>> -> memref<1x128x128xf32, #tpu.memory_space<vmem>>
        %dma_wait3A_348 = tpu.memref_squeeze %dma_wait3A_347 : memref<1x128x128xf32, #tpu.memory_space<vmem>> -> memref<128x128xf32, #tpu.memory_space<vmem>>
        tpu.wait_dma2 semaphore(%arg13 : memref<!tpu.dma_semaphore, #tpu.memory_space<semaphore_mem>>) src(%dma_wait3A_348 : memref<128x128xf32, #tpu.memory_space<vmem>>) dst(%dma_wait3A_344 : memref<128x128xf32, #tpu.memory_space<hbm>>)
      } else {
      }
      %lt3A_291 = arith.constant 200 : i32
      %lt3A_292 = arith.cmpi slt, %sub3A_282, %lt3A_291 : i32
      %convert_element_type3A_293 = arith.extui %lt3A_292 : i1 to i32
      %cond3A_294 = arith.constant 0 : i32
      %cond3A_295 = arith.cmpi ne, %convert_element_type3A_293, %cond3A_294 : i32
      scf.if %cond3A_295 {
        %mul3A_331 = arith.constant 1 : i32
        %mul3A_332 = arith.muli %sub3A_282, %mul3A_331 : i32
        %add3A_333 = arith.constant 0 : i32
        %add3A_334 = arith.addi %mul3A_332, %add3A_333 : i32
        %dma_start3A_335 = arith.constant 2 : i32
        %dma_start3A_336 = arith.constant 0 : i32
        %dma_start3A_337 = arith.constant 0 : i32
        %dma_start3A_338 = tpu.memref_slice %arg6[%dma_start3A_335, %dma_start3A_336, %dma_start3A_337] : memref<4x128x128xf32, #tpu.memory_space<vmem>> -> memref<1x128x128xf32, #tpu.memory_space<vmem>>
        %dma_start3A_339 = tpu.memref_squeeze %dma_start3A_338 : memref<1x128x128xf32, #tpu.memory_space<vmem>> -> memref<128x128xf32, #tpu.memory_space<vmem>>
        %dma_start3A_340 = arith.constant 0 : i32
        %dma_start3A_341 = arith.constant 0 : i32
        %dma_start3A_342 = tpu.memref_slice %dma_start3A_339[%dma_start3A_340, %dma_start3A_341] : memref<128x128xf32, #tpu.memory_space<vmem>> -> memref<128x128xf32, #tpu.memory_space<vmem>>
        %dma_start3A_343 = arith.constant 0 : i32
        %dma_start3A_344 = tpu.memref_slice %arg5[%add3A_334, %dma_start3A_343] : memref<200x128xi32, #tpu.memory_space<vmem>> -> memref<1x128xi32, #tpu.memory_space<vmem>>
        %dma_start3A_345 = tpu.memref_squeeze %dma_start3A_344 : memref<1x128xi32, #tpu.memory_space<vmem>> -> memref<128xi32, #tpu.memory_space<vmem>>
        %dma_start3A_346 = arith.constant 0 : i32
        %dma_start3A_347 = arith.constant 0 : i32
        %dma_start3A_348 = tpu.memref_slice %arg3[%dma_start3A_346, %dma_start3A_347] : memref<100000x128xf32, #tpu.memory_space<hbm>> -> memref<100000x128xf32, #tpu.memory_space<hbm>>
        tpu.enqueue_indirect_dma source(%dma_start3A_348 : memref<100000x128xf32, #tpu.memory_space<hbm>>) target(%dma_start3A_342 : memref<128x128xf32, #tpu.memory_space<vmem>>) offsets(%dma_start3A_345 : memref<128xi32, #tpu.memory_space<vmem>>) semaphore(%arg9 : memref<!tpu.dma_semaphore, #tpu.memory_space<semaphore_mem>>)
      } else {
      }
      %mul3A_296 = arith.constant 1 : i32
      %mul3A_297 = arith.muli %add3A_278, %mul3A_296 : i32
      %add3A_298 = arith.constant 0 : i32
      %add3A_299 = arith.addi %mul3A_297, %add3A_298 : i32
      %dma_wait3A_300 = arith.constant 3 : i32
      %dma_wait3A_301 = arith.constant 0 : i32
      %dma_wait3A_302 = arith.constant 0 : i32
      %dma_wait3A_303 = tpu.memref_slice %arg6[%dma_wait3A_300, %dma_wait3A_301, %dma_wait3A_302] : memref<4x128x128xf32, #tpu.memory_space<vmem>> -> memref<1x128x128xf32, #tpu.memory_space<vmem>>
      %dma_wait3A_304 = tpu.memref_squeeze %dma_wait3A_303 : memref<1x128x128xf32, #tpu.memory_space<vmem>> -> memref<128x128xf32, #tpu.memory_space<vmem>>
      %dma_wait3A_305 = arith.constant 0 : i32
      %dma_wait3A_306 = arith.constant 0 : i32
      %dma_wait3A_307 = tpu.memref_slice %dma_wait3A_304[%dma_wait3A_305, %dma_wait3A_306] : memref<128x128xf32, #tpu.memory_space<vmem>> -> memref<128x128xf32, #tpu.memory_space<vmem>>
      %dma_wait3A_308 = arith.constant 0 : i32
      %dma_wait3A_309 = tpu.memref_slice %arg5[%add3A_299, %dma_wait3A_308] : memref<200x128xi32, #tpu.memory_space<vmem>> -> memref<1x128xi32, #tpu.memory_space<vmem>>
      %dma_wait3A_310 = tpu.memref_squeeze %dma_wait3A_309 : memref<1x128xi32, #tpu.memory_space<vmem>> -> memref<128xi32, #tpu.memory_space<vmem>>
      %dma_wait3A_311 = arith.constant 0 : i32
      %dma_wait3A_312 = arith.constant 0 : i32
      %dma_wait3A_313 = tpu.memref_slice %arg3[%dma_wait3A_311, %dma_wait3A_312] : memref<100000x128xf32, #tpu.memory_space<hbm>> -> memref<100000x128xf32, #tpu.memory_space<hbm>>
      tpu.wait_indirect_dma semaphore(%arg10 : memref<!tpu.dma_semaphore, #tpu.memory_space<semaphore_mem>>) src(%dma_wait3A_313 : memref<100000x128xf32, #tpu.memory_space<hbm>>) dst(%dma_wait3A_307 : memref<128x128xf32, #tpu.memory_space<vmem>>)
      %mul3A_314 = arith.constant 128 : i32
      %mul3A_315 = arith.muli %add3A_278, %mul3A_314 : i32
      %add3A_316 = arith.addi %mul3A_4, %mul3A_315 : i32
      %dma_start3A_317 = arith.constant 3 : i32
      %dma_start3A_318 = arith.constant 0 : i32
      %dma_start3A_319 = arith.constant 0 : i32
      %dma_start3A_320 = tpu.memref_slice %arg6[%dma_start3A_317, %dma_start3A_318, %dma_start3A_319] : memref<4x128x128xf32, #tpu.memory_space<vmem>> -> memref<1x128x128xf32, #tpu.memory_space<vmem>>
      %dma_start3A_321 = tpu.memref_squeeze %dma_start3A_320 : memref<1x128x128xf32, #tpu.memory_space<vmem>> -> memref<128x128xf32, #tpu.memory_space<vmem>>
      %dma_start3A_322 = arith.constant 0 : i32
      %dma_start3A_323 = tpu.memref_slice %arg4[%add3A_316, %dma_start3A_322] : memref<819200x128xf32, #tpu.memory_space<hbm>> -> memref<128x128xf32, #tpu.memory_space<hbm>>
      %dma_start3A_324 = arith.constant 0 : i32
      %dma_start3A_325 = tpu.memref_slice %arg4[%add3A_316, %dma_start3A_324] : memref<819200x128xf32, #tpu.memory_space<hbm>> -> memref<128x128xf32, #tpu.memory_space<hbm>>
      %dma_start3A_326 = arith.constant 0 : i32
      %dma_start3A_327 = arith.constant 0 : i32
      %dma_start3A_328 = tpu.memref_slice %arg6[%dma_start3A_317, %dma_start3A_326, %dma_start3A_327] : memref<4x128x128xf32, #tpu.memory_space<vmem>> -> memref<1x128x128xf32, #tpu.memory_space<vmem>>
      %dma_start3A_329 = tpu.memref_squeeze %dma_start3A_328 : memref<1x128x128xf32, #tpu.memory_space<vmem>> -> memref<128x128xf32, #tpu.memory_space<vmem>>
      tpu.enqueue_dma source(%dma_start3A_329 : memref<128x128xf32, #tpu.memory_space<vmem>>) target(%dma_start3A_325 : memref<128x128xf32, #tpu.memory_space<hbm>>) target_semaphore(%arg14 : memref<!tpu.dma_semaphore, #tpu.memory_space<semaphore_mem>>)
      %scan3A_330 = arith.constant 0 : i32
      scf.yield %scan3A_330 : i32
    }
    %scan3A_54 = arith.constant 50 : i32
    %add3A_55 = arith.constant 25088 : i32
    %add3A_56 = arith.addi %mul3A_4, %add3A_55 : i32
    %dma_wait3A = arith.constant 0 : i32
    %dma_wait3A_57 = arith.constant 0 : i32
    %dma_wait3A_58 = arith.constant 0 : i32
    %dma_wait3A_59 = tpu.memref_slice %arg6[%dma_wait3A, %dma_wait3A_57, %dma_wait3A_58] : memref<4x128x128xf32, #tpu.memory_space<vmem>> -> memref<1x128x128xf32, #tpu.memory_space<vmem>>
    %dma_wait3A_60 = tpu.memref_squeeze %dma_wait3A_59 : memref<1x128x128xf32, #tpu.memory_space<vmem>> -> memref<128x128xf32, #tpu.memory_space<vmem>>
    %dma_wait3A_61 = arith.constant 0 : i32
    %dma_wait3A_62 = tpu.memref_slice %arg4[%add3A_56, %dma_wait3A_61] : memref<819200x128xf32, #tpu.memory_space<hbm>> -> memref<128x128xf32, #tpu.memory_space<hbm>>
    %dma_wait3A_63 = arith.constant 0 : i32
    %dma_wait3A_64 = tpu.memref_slice %arg4[%add3A_56, %dma_wait3A_63] : memref<819200x128xf32, #tpu.memory_space<hbm>> -> memref<128x128xf32, #tpu.memory_space<hbm>>
    %dma_wait3A_65 = arith.constant 0 : i32
    %dma_wait3A_66 = arith.constant 0 : i32
    %dma_wait3A_67 = tpu.memref_slice %arg6[%dma_wait3A, %dma_wait3A_65, %dma_wait3A_66] : memref<4x128x128xf32, #tpu.memory_space<vmem>> -> memref<1x128x128xf32, #tpu.memory_space<vmem>>
    %dma_wait3A_68 = tpu.memref_squeeze %dma_wait3A_67 : memref<1x128x128xf32, #tpu.memory_space<vmem>> -> memref<128x128xf32, #tpu.memory_space<vmem>>
    tpu.wait_dma2 semaphore(%arg11 : memref<!tpu.dma_semaphore, #tpu.memory_space<semaphore_mem>>) src(%dma_wait3A_68 : memref<128x128xf32, #tpu.memory_space<vmem>>) dst(%dma_wait3A_64 : memref<128x128xf32, #tpu.memory_space<hbm>>)
    %add3A_69 = arith.constant 25216 : i32
    %add3A_70 = arith.addi %mul3A_4, %add3A_69 : i32
    %dma_wait3A_71 = arith.constant 1 : i32
    %dma_wait3A_72 = arith.constant 0 : i32
    %dma_wait3A_73 = arith.constant 0 : i32
    %dma_wait3A_74 = tpu.memref_slice %arg6[%dma_wait3A_71, %dma_wait3A_72, %dma_wait3A_73] : memref<4x128x128xf32, #tpu.memory_space<vmem>> -> memref<1x128x128xf32, #tpu.memory_space<vmem>>
    %dma_wait3A_75 = tpu.memref_squeeze %dma_wait3A_74 : memref<1x128x128xf32, #tpu.memory_space<vmem>> -> memref<128x128xf32, #tpu.memory_space<vmem>>
    %dma_wait3A_76 = arith.constant 0 : i32
    %dma_wait3A_77 = tpu.memref_slice %arg4[%add3A_70, %dma_wait3A_76] : memref<819200x128xf32, #tpu.memory_space<hbm>> -> memref<128x128xf32, #tpu.memory_space<hbm>>
    %dma_wait3A_78 = arith.constant 0 : i32
    %dma_wait3A_79 = tpu.memref_slice %arg4[%add3A_70, %dma_wait3A_78] : memref<819200x128xf32, #tpu.memory_space<hbm>> -> memref<128x128xf32, #tpu.memory_space<hbm>>
    %dma_wait3A_80 = arith.constant 0 : i32
    %dma_wait3A_81 = arith.constant 0 : i32
    %dma_wait3A_82 = tpu.memref_slice %arg6[%dma_wait3A_71, %dma_wait3A_80, %dma_wait3A_81] : memref<4x128x128xf32, #tpu.memory_space<vmem>> -> memref<1x128x128xf32, #tpu.memory_space<vmem>>
    %dma_wait3A_83 = tpu.memref_squeeze %dma_wait3A_82 : memref<1x128x128xf32, #tpu.memory_space<vmem>> -> memref<128x128xf32, #tpu.memory_space<vmem>>
    tpu.wait_dma2 semaphore(%arg12 : memref<!tpu.dma_semaphore, #tpu.memory_space<semaphore_mem>>) src(%dma_wait3A_83 : memref<128x128xf32, #tpu.memory_space<vmem>>) dst(%dma_wait3A_79 : memref<128x128xf32, #tpu.memory_space<hbm>>)
    %add3A_84 = arith.constant 25344 : i32
    %add3A_85 = arith.addi %mul3A_4, %add3A_84 : i32
    %dma_wait3A_86 = arith.constant 2 : i32
    %dma_wait3A_87 = arith.constant 0 : i32
    %dma_wait3A_88 = arith.constant 0 : i32
    %dma_wait3A_89 = tpu.memref_slice %arg6[%dma_wait3A_86, %dma_wait3A_87, %dma_wait3A_88] : memref<4x128x128xf32, #tpu.memory_space<vmem>> -> memref<1x128x128xf32, #tpu.memory_space<vmem>>
    %dma_wait3A_90 = tpu.memref_squeeze %dma_wait3A_89 : memref<1x128x128xf32, #tpu.memory_space<vmem>> -> memref<128x128xf32, #tpu.memory_space<vmem>>
    %dma_wait3A_91 = arith.constant 0 : i32
    %dma_wait3A_92 = tpu.memref_slice %arg4[%add3A_85, %dma_wait3A_91] : memref<819200x128xf32, #tpu.memory_space<hbm>> -> memref<128x128xf32, #tpu.memory_space<hbm>>
    %dma_wait3A_93 = arith.constant 0 : i32
    %dma_wait3A_94 = tpu.memref_slice %arg4[%add3A_85, %dma_wait3A_93] : memref<819200x128xf32, #tpu.memory_space<hbm>> -> memref<128x128xf32, #tpu.memory_space<hbm>>
    %dma_wait3A_95 = arith.constant 0 : i32
    %dma_wait3A_96 = arith.constant 0 : i32
    %dma_wait3A_97 = tpu.memref_slice %arg6[%dma_wait3A_86, %dma_wait3A_95, %dma_wait3A_96] : memref<4x128x128xf32, #tpu.memory_space<vmem>> -> memref<1x128x128xf32, #tpu.memory_space<vmem>>
    %dma_wait3A_98 = tpu.memref_squeeze %dma_wait3A_97 : memref<1x128x128xf32, #tpu.memory_space<vmem>> -> memref<128x128xf32, #tpu.memory_space<vmem>>
    tpu.wait_dma2 semaphore(%arg13 : memref<!tpu.dma_semaphore, #tpu.memory_space<semaphore_mem>>) src(%dma_wait3A_98 : memref<128x128xf32, #tpu.memory_space<vmem>>) dst(%dma_wait3A_94 : memref<128x128xf32, #tpu.memory_space<hbm>>)
    %add3A_99 = arith.constant 25472 : i32
    %add3A_100 = arith.addi %mul3A_4, %add3A_99 : i32
    %dma_wait3A_101 = arith.constant 3 : i32
    %dma_wait3A_102 = arith.constant 0 : i32
    %dma_wait3A_103 = arith.constant 0 : i32
    %dma_wait3A_104 = tpu.memref_slice %arg6[%dma_wait3A_101, %dma_wait3A_102, %dma_wait3A_103] : memref<4x128x128xf32, #tpu.memory_space<vmem>> -> memref<1x128x128xf32, #tpu.memory_space<vmem>>
    %dma_wait3A_105 = tpu.memref_squeeze %dma_wait3A_104 : memref<1x128x128xf32, #tpu.memory_space<vmem>> -> memref<128x128xf32, #tpu.memory_space<vmem>>
    %dma_wait3A_106 = arith.constant 0 : i32
    %dma_wait3A_107 = tpu.memref_slice %arg4[%add3A_100, %dma_wait3A_106] : memref<819200x128xf32, #tpu.memory_space<hbm>> -> memref<128x128xf32, #tpu.memory_space<hbm>>
    %dma_wait3A_108 = arith.constant 0 : i32
    %dma_wait3A_109 = tpu.memref_slice %arg4[%add3A_100, %dma_wait3A_108] : memref<819200x128xf32, #tpu.memory_space<hbm>> -> memref<128x128xf32, #tpu.memory_space<hbm>>
    %dma_wait3A_110 = arith.constant 0 : i32
    %dma_wait3A_111 = arith.constant 0 : i32
    %dma_wait3A_112 = tpu.memref_slice %arg6[%dma_wait3A_101, %dma_wait3A_110, %dma_wait3A_111] : memref<4x128x128xf32, #tpu.memory_space<vmem>> -> memref<1x128x128xf32, #tpu.memory_space<vmem>>
    %dma_wait3A_113 = tpu.memref_squeeze %dma_wait3A_112 : memref<1x128x128xf32, #tpu.memory_space<vmem>> -> memref<128x128xf32, #tpu.memory_space<vmem>>
    tpu.wait_dma2 semaphore(%arg14 : memref<!tpu.dma_semaphore, #tpu.memory_space<semaphore_mem>>) src(%dma_wait3A_113 : memref<128x128xf32, #tpu.memory_space<vmem>>) dst(%dma_wait3A_109 : memref<128x128xf32, #tpu.memory_space<hbm>>)
    return
  }
}

</mosaic_0001>

<sc_bundles>
// kernel: kernel.3.cloned.1.call-start
scs
__scs_entry_jumppad:
0x0: {  	(pc) =	sbr.rel $0x88, $3  }
0x1: {  	(tag) =	ssettag $0x0;
	lr =	simm.s32 $0x1  }
0x2: {  	[smem:$0x3F9F] =	sst lr;
	_ =	strace $0xD0000000  }
0x3: {  	_ = 	snop  }
0x4: {  	_ = 	snop  }
0x5: {  	_ = 	snop  }
0x6: {  	_ = 	snop  }
0x7: {  	_ = 	snop  }
__scs_overlays_trampoline_lowered:
0x8: {  	[smem:$0x3FAE] =	sst s0  }
0x9: {  	[smem:$0x3FAF] =	sst s1  }
0xa: {  	[smem:$0x3FB0] =	sst s2  }
0xb: {  	[smem:$0x3FB1] =	sst s3  }
0xc: {  	[smem:$0x3FB2] =	sst s4  }
0xd: {  	[smem:$0x3FB3] =	sst s5  }
0xe: {  	[smem:$0x3FB4] =	sst s6  }
0xf: {  	[smem:$0x3FB5] =	sst s7  }
0x10: {  	[smem:$0x3FB6] =	sst s8  }
0x11: {  	[smem:$0x3FB7] =	sst s9;
	s0 =	simm.s32 @!p0 $0x0  }
0x12: {  	s1 =	sld [smem:$0x3F9D];
	s0 =	simm.s32 @p0 $0x1  }
0x13: {  	[smem:$0x3FB8] =	sst s0;
	s0 =	simm.s32 @!p1 $0x0  }
0x14: {  	s2 =	sld [smem:$0x3F9C];
	s0 =	simm.s32 @p1 $0x1  }
0x15: {  	[smem:$0x3FB9] =	sst s0;
	s0 =	simm.s32 @!p2 $0x0  }
0x16: {  	s3 =	sld [smem:$0x3FDB];
	s0 =	simm.s32 @p2 $0x1  }
0x17: {  	s4 =	simm.s32 $0x1BF5;
	[smem:$0x3FBB] =	sst s0  }
0x18: {  	s0 =	sld [smem:$0x3F9E];
	_ =	swait.ge [sflag:s4], $0x0  }
0x19: {  	s7 =	sld [smem:$0x3F9F]  }
0x1a: {  	s8 =	sadd.s32 $0xFFFFE003, lr  }
0x1b: {  	s9 =	sadd.s32 $0xFFFFFEF7, lr;
	s5 =	simm.s32 $0xFFFFFFFF;
	p2 =	slt.u32 s8, $0xFFFFF086  }
0x1c: {  	p1 =	slt.u32 s9, $0xF7A;
	s5 =	simm.s32 @!p2 $0x0  }
0x1d: {  	s5 =	simm.s32 @p1 $0x1;
	p0 =	seq.s32 s7, s2  }
0x1e: {  	s7 =	smul.u32 @!p0 $0xF7A, s2;
	p2 =	seq.s32 @!p0 s5, $0x0  }
0x1f: {  	s9 =	smul.u32 $0xF7A, s1;
	s8 =	simm.s32 @!p0 $0x1BF5;
	p2 =	por !p2, p0  }
0x20: {  	[sflag:s8] =	ssyncset.s32 @!p0 $0xFFFFF086;
	s6 =	sadd.s32 @!p0 s3, s7;
	s7 =	simm.s32 @!p0 $0x108  }
0x21: {  	s3 =	sadd.s32 s3, s9;
	s6 =	sadd.s32 @!p0 $0x88, s6;
	s7 =	simm.s32 @p2 $0x1082  }
0x22: {  	[simem:s7], [sflag:s8] =	dma.local @!p0 [hbm:s6], $0xF7A  }
0x23: {  	s9 =	sor.u32 $0xD0000000, s2;
	s6 =	simm.s32 $0x108;
	_ =	swait.ge @!p0 [sflag:s8], $0x0  }
0x24: {  	s3 =	sadd.s32 $0x88, s3;
	s6 =	simm.s32 @!p1 $0x1082;
	[sflag:s4] =	ssyncset.s32 $0xFFFFF086  }
0x25: {  	[simem:s6], [sflag:s4] =	dma.local [hbm:s3], $0xF7A  }
0x26: {  	[smem:$0x3F9F] =	sst s1;
	(tag) =	ssettag s2;
	_ =	strace s9  }
0x27: {  	s1 =	sld [smem:$0x3FAF]  }
0x28: {  	s2 =	sld [smem:$0x3FB0]  }
0x29: {  	s4 =	sld [smem:$0x3FB2]  }
0x2a: {  	p0 =	seq.s32 s5, $0x0;
	s5 =	sld [smem:$0x3FB3]  }
0x2b: {  	s6 =	sld [smem:$0x3FB4]  }
0x2c: {  	s7 =	sld [smem:$0x3FB5]  }
0x2d: {  	s3 =	simm.s32 $0x108;
	s8 =	sld [smem:$0x3FB6]  }
0x2e: {  	s3 =	simm.s32 @!p0 $0x1082;
	s9 =	sld [smem:$0x3FB7]  }
0x2f: {  	lr =	sadd.s32 s0, s3;
	s0 =	sld [smem:$0x3FAE]  }
0x30: {  	s3 =	sld [smem:$0x3FB1]  }
0x31: {  	[smem:$0x3FBA] =	sst s10  }
0x32: {  	s10 =	sld [smem:$0x3FB8];
	_ =	sdelay $0x3  }
0x33: {  	p0 =	seq.s32 s10, $0x1;
	s10 =	sld [smem:$0x3FBA];
	_ =	sdelay $0x3  }
0x34: {  	[smem:$0x3FBA] =	sst s10  }
0x35: {  	s10 =	sld [smem:$0x3FB9];
	_ =	sdelay $0x3  }
0x36: {  	p1 =	seq.s32 s10, $0x1;
	s10 =	sld [smem:$0x3FBA];
	_ =	sdelay $0x3  }
0x37: {  	[smem:$0x3FBA] =	sst s10  }
0x38: {  	s10 =	sld [smem:$0x3FBB]  }
0x39: {  	_ = 	snop;
	(pc) =	sbr.ind lr, $3  }
0x3a: {  	_ = 	snop  }
0x3b: {  	_ = 	snop  }
0x3c: {  	p2 =	seq.s32 s10, $0x1;
	s10 =	sld [smem:$0x3FBA]  }
0x3d: {  	_ =	shalt  }
0x3e: {  	_ =	shalt  }
0x3f: {  	_ =	shalt  }
0x40: {  	_ =	shalt  }
0x41: {  	_ =	shalt  }
0x42: {  	_ =	shalt  }
0x43: {  	_ =	shalt  }
0x44: {  	_ =	shalt  }
0x45: {  	_ =	shalt  }
0x46: {  	_ =	shalt  }
0x47: {  	_ =	shalt  }
0x48: {  	_ =	shalt  }
0x49: {  	_ =	shalt  }
0x4a: {  	_ =	shalt  }
0x4b: {  	_ =	shalt  }
0x4c: {  	_ =	shalt  }
0x4d: {  	_ =	shalt  }
0x4e: {  	_ =	shalt  }
0x4f: {  	_ =	shalt  }
0x50: {  	_ =	shalt  }
0x51: {  	_ =	shalt  }
0x52: {  	_ =	shalt  }
0x53: {  	_ =	shalt  }
0x54: {  	_ =	shalt  }
0x55: {  	_ =	shalt  }
0x56: {  	_ =	shalt  }
0x57: {  	_ =	shalt  }
0x58: {  	_ =	shalt  }
0x59: {  	_ =	shalt  }
0x5a: {  	_ =	shalt  }
0x5b: {  	_ =	shalt  }
0x5c: {  	_ =	shalt  }
0x5d: {  	_ =	shalt  }
0x5e: {  	_ =	shalt  }
0x5f: {  	_ =	shalt  }
0x60: {  	_ =	shalt  }
0x61: {  	_ =	shalt  }
0x62: {  	_ =	shalt  }
0x63: {  	_ =	shalt  }
0x64: {  	_ =	shalt  }
0x65: {  	_ =	shalt  }
0x66: {  	_ =	shalt  }
0x67: {  	_ =	shalt  }
0x68: {  	_ =	shalt  }
0x69: {  	_ =	shalt  }
0x6a: {  	_ =	shalt  }
0x6b: {  	_ =	shalt  }
0x6c: {  	_ =	shalt  }
0x6d: {  	_ =	shalt  }
0x6e: {  	_ =	shalt  }
0x6f: {  	_ =	shalt  }
0x70: {  	_ =	shalt  }
0x71: {  	_ =	shalt  }
0x72: {  	_ =	shalt  }
0x73: {  	_ =	shalt  }
0x74: {  	_ =	shalt  }
0x75: {  	_ =	shalt  }
0x76: {  	_ =	shalt  }
0x77: {  	_ =	shalt  }
0x78: {  	_ =	shalt  }
0x79: {  	_ =	shalt  }
0x7a: {  	_ =	shalt  }
0x7b: {  	_ =	shalt  }
0x7c: {  	_ =	shalt  }
0x7d: {  	_ =	shalt  }
0x7e: {  	_ =	shalt  }
0x7f: {  	_ =	shalt  }
0x80: {  	_ =	shalt  }
0x81: {  	_ =	shalt  }
0x82: {  	_ =	shalt  }
0x83: {  	_ =	shalt  }
0x84: {  	_ =	shalt  }
0x85: {  	_ =	shalt  }
0x86: {  	_ =	shalt  }
0x87: {  	_ =	shalt  }
.Lfunc_end0:
.L_simem_size_0:
called_computation_lowered:
.L_overlay_start_0:
0x88: {  	s2 =	sld [smem:$0x3FD9]  }
0x89: {  	s3 =	sld [smem:$0x3FFE];
	_ =	sdelay $0x1  }
0x8a: {  	s1 =	srdreg.scid  }
0x8b: {  	s0 =	sand.u32 $0x1, s1  }
0x8c: {  	s17 =	sshll.u32 s0, $0xA;
	s2 =	sadd.s32 s3, s2  }
0x8d: {  	s2 =	sadd.s32 s2, s17  }
0x8e: {  	[smem:$0x3FC6] =	sst s2  }
0x8f: {  	_ = 	snop  }
0x90: {  	s2 =	sld [smem:$0x3FC8]  }
0x91: {  	s18 =	sld [smem:$0x3FD0];
	(tm) =	ssettm $0x1  }
0x92: {  	s4 =	sld [smem:$0x3FFB];
	_ =	sdelay $0x3  }
0x93: {  	_ =	strace s4  }
0x94: {  	s4 =	sld [smem:$0x3FFC];
	_ =	sdelay $0x3  }
0x95: {  	_ =	strace s4  }
0x96: {  	s4 =	sld [smem:$0x3FFD];
	_ =	sdelay $0x3  }
0x97: {  	_ =	strace s4  }
0x98: {  	_ =	strace $0x8FFFFFFF  }
0x99: {  	s19 =	sld [smem:$0x3FDB];
	_ =	sdelay $0x1  }
0x9a: {  	s5 =	simm.s32 $_scs_section_size  }
0x9b: {  	s6 =	simm.s32 $_size__tile_overlayer_lowered;
	s7 =	simm.s32 $_tile_overlayer_lowered  }
0x9c: {  	s22 =	simm.s32 $0x1BFF;
	s21 =	sshll.u32 s7, $0x1;
	s4 =	sadd.s32 s5, s19  }
0x9d: {  	s8 =	simm.s32 $0x0;
	s20 =	sshll.u32 s6, $0x1;
	s6 =	sadd.s32 s21, s4  }
0x9e: {  	[timem:s8], [sflag:s22] =	dma.local [hbm:s6], s20  }
0x9f: {  	_ =	swait.ge [sflag:s22], s20  }
0xa0: {  	s5 =	ssub.s32 $0x0, s20;
	[sflag:s22] =	ssyncset.done $0x0  }
0xa1: {  	[sflag:s22] =	ssyncadd.s32 s5;
	_ =	sdelay $0x1  }
0xa2: {  	s23 =	simm.s32 $0x1B8B  }
0xa3: {  	_ =	swait.ge [sflag:s23], $0x1  }
0xa4: {  	[sflag:s23] =	ssyncset.done $0x0  }
0xa5: {  	s25 =	simm.s32 $0x1B8E;
	s24 =	sld [smem:$0x3FFE];
	[sflag:s23] =	ssyncadd.s32 $0xFFFFFFFF  }
0xa6: {  	s26 =	simm.s32 $execute0_lowered;
	[smem:$0x3FD2] =	sst s25  }
0xa7: {  	s6 =	sshll.u32 s26, $0x1;
	_ =	strace $0x80000046;
	[dreg:$0x1] =	wrdreg $0xFFFFFFFF  }
0xa8: {  	s28 =	simm.s32 $_size_execute0_lowered;
	s4 =	sadd.s32 s4, s6;
	[dreg:$0x0] =	wrdreg $0x0  }
0xa9: {  	s6 =	sshll.u32 s28, $0x1;
	[dreg:$0x2] =	wrdreg s4  }
0xaa: {  	[dreg:$0x3] =	wrdreg s6  }
0xab: {  	[dreg:$0x4] =	wrdreg $0xC0  }
0xac: {  	_ =	task [dreg:s8], $0x5FFFF  }
0xad: {  	[dreg:$0x1] =	wrdreg $0xFFFFFFFF  }
0xae: {  	[dreg:$0x0] =	wrdreg $0x60  }
0xaf: {  	[dreg:$0x2] =	wrdreg s24  }
0xb0: {  	[dreg:$0x3] =	wrdreg s2  }
0xb1: {  	[dreg:$0x4] =	wrdreg s18  }
0xb2: {  	[dreg:$0x5] =	wrdreg $0x9  }
0xb3: {  	_ =	task.clear_ibuf [dreg:s8], $0x6FFFF;
	_ =	strace $0x90000046  }
0xb4: {  	s29 =	simm.s32 $0x9;
	_ =	strace $0x80000048  }
0xb5: {  	_ =	swait.ge [sflag:s29], $0x1  }
0xb6: {  	[sflag:s29] =	ssyncadd.s32 $0xFFFFFFFF  }
0xb7: {  	_ =	strace $0x90000048  }
0xb8: {  	_ =	sfence  }
0xb9: {  	s30 =	sld [smem:$0x0];
	_ =	sdelay $0x2  }
0xba: {  	s31 =	sshll.u32 s1, $0xD;
	s1 =	sshrl.u32 s1, $0x2  }
0xbb: {  	s3 =	sand.u32 $0x4000, s31;
	s1 =	sadd.s32 s1, s30  }
0xbc: {  	s0 =	sor.u32 s3, s0;
	s1 =	sshll.u32 s1, $0x11  }
0xbd: {  	s0 =	sor.u32 s1, s0  }
0xbe: {  	s0 =	sadd.s32 $0x8F2B, s0  }
0xbf: {  	[sflag:s0] =	ssyncadd.remote.s32 $0x1  }
0xc0: {  	_ =	sfence.sel $0xFFFF  }
0xc1: {  	[dreg:$0x0] =	wrdreg $0xFFFFFFFF;
	(pc) =	sbr.abs _section_cstart, $3  }
0xc2: {  	[dreg:$0x1] =	wrdreg $0xFFFFFFFF  }
0xc3: {  	_ =	task.clear_ibuf [dreg:s8], $0x2FFFF;
	_ =	strace $0x9FFFFFFF  }
0xc4: {  	(tm) =	ssettm $0x7FFFFFFF  }
0xc5: {  	_ =	shalt  }
tec
execute0_lowered:
.L_overlay_start_1:
0x0: {  	(tag) =	ssettag $0x1  }
0x1: {  	s4 =	rddreg [dreg:$0x0]  }
0x2: {  	s2 =	rddreg [dreg:$0x1];
	s1 =	srdreg.scid  }
0x3: {  	s0 =	stileid.u32;
	s8 =	rddreg [dreg:$0x2]  }
0x4: {  	s3 =	simm.s32 $0x0;
	s12 =	simm.s32 $0xA400;
	s15 =	simm.s32 $0x12400  }
0x5: {  	s16 =	simm.s32 $0x1;
	s17 =	simm.s32 $0x2;
	s18 =	simm.s32 $0x4  }
0x6: {  	s19 =	simm.s32 $0x5;
	s20 =	simm.s32 $0x6;
	s25 =	smul.u32 $0x640000, s0  }
0x7: {  	s21 =	simm.s32 $0x7;
	s6 =	sand.u32 $0x1, s1;
	s11 =	smul.u32 $0xC8000, s0  }
0x8: {  	s22 =	simm.s32 $0x8;
	s5 =	sshll.u32 s0, $0x1;
	s28 =	smul.u32 $0x320000, s6  }
0x9: {  	s5 =	sor.u32 s6, s5;
	s9 =	ssub.s32 $0x2, s6;
	s6 =	smul.u32 $0x64000, s6  }
0xa: {  	s23 =	simm.s32 $0x0;
	[smem:$0x7FF] =	sst s3;
	s7 =	smul.u32 $0xC80, s5  }
0xb: {  	_ =	strace $0x80000047;
	s10 =	smul.u32 $0x64000, s5;
	s24 =	sshrl.u32 s9, $0x1  }
0xc: {  	s30 =	sadd.s32 s11, s8;
	s11 =	simm.s32 $0x6400;
	s5 =	ssub.s32 s9, s24  }
0xd: {  	s9 =	sadd.s32 s6, s30;
	s4 =	sadd.s32 s7, s4;
	s29 =	smax.u32 s5, $0x1  }
0xe: {  	s10 =	sadd.s32 s8, s10;
	s26 =	sadd.s32 $0x400, s4;
	[dreg:$0x6] =	wrdreg s29  }
0xf: {  	s7 =	sadd.s32 s28, s25;
	s10 =	sadd.s32 $0x63000, s10;
	[dreg:$0x5] =	wrdreg s26  }
0x10: {  	s31 =	sor.u32 $0xC000, s7;
	s7 =	sshrl.u32 s7, $0x3;
	[dreg:$0x4] =	wrdreg s10  }
0x11: {  	s10 =	sshrl.u32 s31, $0x3;
	s6 =	sadd.s32 s7, s8;
	s7 =	sadd.s32 $0x1000, s9  }
0x12: {  	s9 =	simm.s32 $0x9;
	s8 =	sadd.s32 s10, s8;
	s10 =	simm.s32 $0x80  }
.LBB2_1:
0x13: {  	s0 =	rddreg [dreg:$0x5]  }
0x14: {  	[tilespmem:s3], [sflag:$0x9] =	stream.linear.gather [hbm4b:s0+s3], $0x6400, $0x38;
	[tilespmem:$0x16400] =	vst v63  }
0x15: {  	_ =	swait.ge [sflag:s9], $0x6400  }
0x16: {  	[sflag:s9] =	ssyncset.done $0x0  }
0x17: {  	[sflag:s9] =	ssyncadd.s32 $0xFFFF9C00  }
0x18: {  	[tilespmem:s11], [sflag:$0x1] =	stream.indirect.gather [hbm4b:s2+s10], $0x80, s3, s10, $0xb8;
	[tilespmem:$0x16400] =	vst v63  }
0x19: {  	p0 =	por $0x1, $0x1  }
0x1a: {  	[tilespmem:s12], [sflag:$0x2] =	stream.indirect.gather [hbm4b:s2+s10], $0x80, s10, s10, $0xb8;
	[tilespmem:$0x16400] =	vst v63  }
0x1b: {  	s26 =	simm.s32 $0x100;
	s1 =	simm.s32 $0xE400;
	s24 =	simm.s32 @!p0 $0x8  }
0x1c: {  	[tilespmem:s1], [sflag:$0x3] =	stream.indirect.gather [hbm4b:s2+s10], $0x80, s26, s10, $0xb8;
	[tilespmem:$0x16400] =	vst v63  }
0x1d: {  	_ =	swait.ge @!p0 [sflag:s24], $0x4000  }
0x1e: {  	[sflag:s24] =	ssyncset.done @!p0 $0x0  }
0x1f: {  	s25 =	simm.s32 $0x180;
	[sflag:s24] =	ssyncadd.s32 @!p0 $0xFFFFC000  }
0x20: {  	[tilespmem:s15], [sflag:$0x4] =	stream.indirect.gather [hbm4b:s2+s10], $0x80, s25, s10, $0xb8;
	[tilespmem:$0x16400] =	vst v63  }
0x21: {  	_ =	swait.ge [sflag:s16], $0x4000  }
0x22: {  	p0 =	por $0x0, $0x0;
	[sflag:s16] =	ssyncset.done $0x0  }
0x23: {  	s24 =	simm.s32 @!p0 $0x5;
	[sflag:s16] =	ssyncadd.s32 $0xFFFFC000  }
0x24: {  	[hbm4b:s6+s3] =	stream.linear.scatter [tilespmem:s11], [sflag:$0x5], $0x4000, $0x38;
	[tilespmem:$0x16400] =	vst v63  }
0x25: {  	_ =	swait.ge @!p0 [sflag:s24], $0x4000  }
0x26: {  	s25 =	simm.s32 @!p0 $0x200;
	[sflag:s24] =	ssyncset.done @!p0 $0x0  }
0x27: {  	s26 =	simm.s32 @!p0 $0x80;
	s28 =	simm.s32 @!p0 $0x6400;
	[sflag:s24] =	ssyncadd.s32 @!p0 $0xFFFFC000  }
0x28: {  	[tilespmem:s28], [sflag:$0x1] =	stream.indirect.gather @!p0 [hbm4b:s2+s26], $0x80, s25, s26, $0xb8;
	[tilespmem:$0x16400] =	vst v63  }
0x29: {  	_ =	swait.ge [sflag:s17], $0x4000  }
0x2a: {  	[sflag:s17] =	ssyncset.done $0x0  }
0x2b: {  	s31 =	sadd.s32 $0xFFFFF800, s7;
	s25 =	simm.s32 @p0 $0x3;
	[sflag:s17] =	ssyncadd.s32 $0xFFFFC000  }
0x2c: {  	[hbm4b:s31+s3] =	stream.linear.scatter [tilespmem:s12], [sflag:$0x6], $0x4000, $0x38;
	[tilespmem:$0x16400] =	vst v63  }
0x2d: {  	_ =	swait.ge @p0 [sflag:s25], $0x4000  }
0x2e: {  	s29 =	simm.s32 @!p0 $0x6;
	s28 =	simm.s32 @p0 $0xE400;
	[sflag:s25] =	ssyncset.done @p0 $0x0  }
0x2f: {  	s24 =	rddreg [dreg:$0x4];
	[sflag:s25] =	ssyncadd.s32 @p0 $0xFFFFC000;
	s25 =	simm.s32 @p0 $0x0  }
0x30: {  	[hbm4b:s24+s25] =	stream.linear.scatter @p0 [tilespmem:s28], [sflag:$0x7], $0x4000, $0x38;
	[tilespmem:$0x16400] =	vst v63  }
0x31: {  	_ =	swait.ge @!p0 [sflag:s29], $0x4000  }
0x32: {  	s24 =	simm.s32 @!p0 $0x280;
	[sflag:s29] =	ssyncset.done @!p0 $0x0  }
0x33: {  	s25 =	simm.s32 @!p0 $0xA400;
	s28 =	simm.s32 @!p0 $0x3;
	[sflag:s29] =	ssyncadd.s32 @!p0 $0xFFFFC000  }
0x34: {  	[tilespmem:s25], [sflag:$0x2] =	stream.indirect.gather @!p0 [hbm4b:s2+s26], $0x80, s24, s26, $0xb8;
	[tilespmem:$0x16400] =	vst v63  }
0x35: {  	_ =	swait.ge @!p0 [sflag:s28], $0x4000  }
0x36: {  	s29 =	simm.s32 @!p0 $0x7;
	[sflag:s28] =	ssyncset.done @!p0 $0x0  }
0x37: {  	s24 =	simm.s32 @!p0 $0x0;
	s25 =	simm.s32 @!p0 $0xE400;
	[sflag:s28] =	ssyncadd.s32 @!p0 $0xFFFFC000  }
0x38: {  	[hbm4b:s7+s24] =	stream.linear.scatter @!p0 [tilespmem:s25], [sflag:$0x7], $0x4000, $0x38;
	[tilespmem:$0x16400] =	vst v63  }
0x39: {  	_ =	swait.ge @!p0 [sflag:s29], $0x4000  }
0x3a: {  	p1 =	por $0x0, $0x0;
	[sflag:s29] =	ssyncset.done @!p0 $0x0  }
0x3b: {  	s30 =	smov.u32 s8;
	s24 =	simm.s32 @!p0 $0x300;
	[sflag:s29] =	ssyncadd.s32 @!p0 $0xFFFFC000  }
0x3c: {  	[tilespmem:s25], [sflag:$0x3] =	stream.indirect.gather @!p0 [hbm4b:s2+s26], $0x80, s24, s26, $0xb8;
	[tilespmem:$0x16400] =	vst v63  }
0x3d: {  	s28 =	simm.s32 $0x800;
	s29 =	simm.s32 $0x1000;
	s25 =	sadd.s32 $0x2000, s7  }
0x3e: {  	s24 =	sadd.s32 $0x2000, s8;
	s26 =	sadd.s32 $0x2000, s6;
	_ =	swait.ge [sflag:s18], $0x4000  }
.LBB2_2:
0x3f: {  	[sflag:s18] =	ssyncset.done $0x0  }
0x40: {  	s31 =	simm.s32 @!p1 $0x8;
	[sflag:s18] =	ssyncadd.s32 $0xFFFFC000  }
0x41: {  	[hbm4b:s30+s3] =	stream.linear.scatter [tilespmem:s15], [sflag:$0x8], $0x4000, $0x38;
	[tilespmem:$0x16400] =	vst v63  }
0x42: {  	_ =	swait.ge @!p1 [sflag:s31], $0x4000  }
0x43: {  	s0 =	sshra.s32 s28, $0x2;
	[sflag:s31] =	ssyncset.done @!p1 $0x0  }
0x44: {  	s0 =	sadd.s32 $0x180, s0;
	[sflag:s31] =	ssyncadd.s32 @!p1 $0xFFFFC000  }
0x45: {  	[tilespmem:s15], [sflag:$0x4] =	stream.indirect.gather [hbm4b:s2+s10], $0x80, s0, s10, $0xb8;
	[tilespmem:$0x16400] =	vst v63  }
0x46: {  	_ =	swait.ge [sflag:s16], $0x4000  }
0x47: {  	p1 =	seq.s32 s28, $0x18800;
	[sflag:s16] =	ssyncset.done $0x0  }
0x48: {  	s0 =	simm.s32 @!p1 $0x5;
	[sflag:s16] =	ssyncadd.s32 $0xFFFFC000  }
0x49: {  	[hbm4b:s26+s3] =	stream.linear.scatter [tilespmem:s11], [sflag:$0x5], $0x4000, $0x38;
	[tilespmem:$0x16400] =	vst v63  }
0x4a: {  	_ =	swait.ge @!p1 [sflag:s0], $0x4000  }
0x4b: {  	s28 =	sshra.s32 @!p1 s28, $0x2;
	s14 =	simm.s32 @!p1 $0x80;
	[sflag:s0] =	ssyncset.done @!p1 $0x0  }
0x4c: {  	s4 =	simm.s32 @!p1 $0x6400;
	s31 =	sadd.s32 @!p1 $0x200, s28;
	[sflag:s0] =	ssyncadd.s32 @!p1 $0xFFFFC000  }
0x4d: {  	[tilespmem:s4], [sflag:$0x1] =	stream.indirect.gather @!p1 [hbm4b:s2+s14], $0x80, s31, s14, $0xb8;
	[tilespmem:$0x16400] =	vst v63  }
0x4e: {  	_ =	swait.ge [sflag:s17], $0x4000  }
0x4f: {  	s1 =	smov.u32 s29;
	s5 =	simm.s32 @!p1 $0x6;
	[sflag:s17] =	ssyncset.done $0x0  }
0x50: {  	s31 =	sadd.s32 $0xFFFFF800, s25;
	s4 =	simm.s32 @p1 $0x3;
	[sflag:s17] =	ssyncadd.s32 $0xFFFFC000  }
0x51: {  	[hbm4b:s31+s3] =	stream.linear.scatter [tilespmem:s12], [sflag:$0x6], $0x4000, $0x38;
	[tilespmem:$0x16400] =	vst v63  }
0x52: {  	s13 =	sadd.s32 @!p1 $0x280, s28;
	s0 =	sadd.s32 @!p1 $0x300, s28;
	_ =	swait.ge @p1 [sflag:s4], $0x4000  }
0x53: {  	s28 =	smov.u32 s1;
	s31 =	simm.s32 @p1 $0xE400;
	[sflag:s4] =	ssyncset.done @p1 $0x0  }
0x54: {  	s1 =	rddreg [dreg:$0x4];
	[sflag:s4] =	ssyncadd.s32 @p1 $0xFFFFC000;
	s4 =	simm.s32 @p1 $0x0  }
0x55: {  	[hbm4b:s1+s4] =	stream.linear.scatter @p1 [tilespmem:s31], [sflag:$0x7], $0x4000, $0x38;
	[tilespmem:$0x16400] =	vst v63  }
0x56: {  	_ =	swait.ge @!p1 [sflag:s5], $0x4000  }
0x57: {  	[sflag:s5] =	ssyncset.done @!p1 $0x0  }
0x58: {  	s1 =	simm.s32 @!p1 $0xA400;
	s4 =	simm.s32 @!p1 $0x3;
	[sflag:s5] =	ssyncadd.s32 @!p1 $0xFFFFC000  }
0x59: {  	[tilespmem:s1], [sflag:$0x2] =	stream.indirect.gather @!p1 [hbm4b:s2+s14], $0x80, s13, s14, $0xb8;
	[tilespmem:$0x16400] =	vst v63  }
0x5a: {  	s29 =	sadd.s32 $0x800, s29;
	_ =	swait.ge @!p1 [sflag:s4], $0x4000  }
0x5b: {  	p0 =	sne.s32 s29, $0x19000;
	s5 =	simm.s32 @!p1 $0xE400;
	[sflag:s4] =	ssyncset.done @!p1 $0x0  }
0x5c: {  	s1 =	simm.s32 @!p1 $0x0;
	[sflag:s4] =	ssyncadd.s32 @!p1 $0xFFFFC000;
	s4 =	simm.s32 @!p1 $0x7  }
0x5d: {  	[hbm4b:s25+s1] =	stream.linear.scatter @!p1 [tilespmem:s5], [sflag:$0x7], $0x4000, $0x38;
	[tilespmem:$0x16400] =	vst v63  }
.Ltmp0:
0x5e: {  	_ =	swait.ge @!p1 [sflag:s4], $0x4000;
	(pc) =	sbr.rel @p0 .LBB2_2-.Ltmp0, $4  }
0x5f: {  	s30 =	smov.u32 s24;
	[sflag:s4] =	ssyncset.done @!p1 $0x0  }
0x60: {  	s24 =	sadd.s32 $0x2000, s24;
	s26 =	sadd.s32 $0x2000, s26;
	[sflag:s4] =	ssyncadd.s32 @!p1 $0xFFFFC000  }
0x61: {  	[tilespmem:s5], [sflag:$0x3] =	stream.indirect.gather @!p1 [hbm4b:s2+s14], $0x80, s0, s14, $0xb8;
	[tilespmem:$0x16400] =	vst v63  }
0x62: {  	s25 =	sadd.s32 $0x2000, s25;
	p1 =	seq.s32 s28, $0x0;
	_ =	swait.ge [sflag:s18], $0x4000  }
0x63: {  	[sflag:s18] =	ssyncset.done $0x0  }
0x64: {  	s0 =	simm.s32 @!p1 $0x8;
	[sflag:s18] =	ssyncadd.s32 $0xFFFFC000  }
0x65: {  	[hbm4b:s30+s3] =	stream.linear.scatter [tilespmem:s15], [sflag:$0x8], $0x4000, $0x38;
	[tilespmem:$0x16400] =	vst v63  }
0x66: {  	_ =	swait.ge @!p1 [sflag:s0], $0x4000  }
0x67: {  	s1 =	sshra.s32 s28, $0x2;
	[sflag:s0] =	ssyncset.done @!p1 $0x0  }
0x68: {  	s1 =	sadd.s32 $0x180, s1;
	[sflag:s0] =	ssyncadd.s32 @!p1 $0xFFFFC000  }
0x69: {  	[tilespmem:s15], [sflag:$0x4] =	stream.indirect.gather [hbm4b:s2+s10], $0x80, s1, s10, $0xb8;
	[tilespmem:$0x16400] =	vst v63  }
0x6a: {  	_ =	swait.ge [sflag:s16], $0x4000  }
0x6b: {  	p0 =	seq.s32 s28, $0x18800;
	[sflag:s16] =	ssyncset.done $0x0  }
0x6c: {  	s0 =	simm.s32 @!p0 $0x5;
	[sflag:s16] =	ssyncadd.s32 $0xFFFFC000  }
0x6d: {  	[hbm4b:s26+s3] =	stream.linear.scatter [tilespmem:s11], [sflag:$0x5], $0x4000, $0x38;
	[tilespmem:$0x16400] =	vst v63  }
0x6e: {  	_ =	swait.ge @!p0 [sflag:s0], $0x4000  }
0x6f: {  	s5 =	simm.s32 @!p0 $0x80;
	s1 =	sshra.s32 @!p0 s28, $0x2;
	[sflag:s0] =	ssyncset.done @!p0 $0x0  }
0x70: {  	s13 =	simm.s32 @!p0 $0x6400;
	s4 =	sadd.s32 @!p0 $0x200, s1;
	[sflag:s0] =	ssyncadd.s32 @!p0 $0xFFFFC000  }
0x71: {  	[tilespmem:s13], [sflag:$0x1] =	stream.indirect.gather @!p0 [hbm4b:s2+s5], $0x80, s4, s5, $0xb8;
	[tilespmem:$0x16400] =	vst v63  }
0x72: {  	_ =	swait.ge [sflag:s17], $0x4000  }
0x73: {  	[sflag:s17] =	ssyncset.done $0x0  }
0x74: {  	s30 =	sadd.s32 $0xFFFFF800, s25;
	s4 =	simm.s32 @p0 $0x3;
	[sflag:s17] =	ssyncadd.s32 $0xFFFFC000  }
0x75: {  	[hbm4b:s30+s3] =	stream.linear.scatter [tilespmem:s12], [sflag:$0x6], $0x4000, $0x38;
	[tilespmem:$0x16400] =	vst v63  }
0x76: {  	_ =	swait.ge @p0 [sflag:s4], $0x4000  }
0x77: {  	s14 =	simm.s32 @!p0 $0x6;
	s13 =	simm.s32 @p0 $0xE400;
	[sflag:s4] =	ssyncset.done @p0 $0x0  }
0x78: {  	s0 =	rddreg [dreg:$0x4];
	[sflag:s4] =	ssyncadd.s32 @p0 $0xFFFFC000;
	s4 =	simm.s32 @p0 $0x0  }
0x79: {  	[hbm4b:s0+s4] =	stream.linear.scatter @p0 [tilespmem:s13], [sflag:$0x7], $0x4000, $0x38;
	[tilespmem:$0x16400] =	vst v63  }
0x7a: {  	_ =	swait.ge @!p0 [sflag:s14], $0x4000  }
0x7b: {  	s0 =	sadd.s32 @!p0 $0x280, s1;
	[sflag:s14] =	ssyncset.done @!p0 $0x0  }
0x7c: {  	s4 =	simm.s32 @!p0 $0xA400;
	s13 =	simm.s32 @!p0 $0x3;
	[sflag:s14] =	ssyncadd.s32 @!p0 $0xFFFFC000  }
0x7d: {  	[tilespmem:s4], [sflag:$0x2] =	stream.indirect.gather @!p0 [hbm4b:s2+s5], $0x80, s0, s5, $0xb8;
	[tilespmem:$0x16400] =	vst v63  }
0x7e: {  	_ =	swait.ge @!p0 [sflag:s13], $0x4000  }
0x7f: {  	s0 =	simm.s32 @!p0 $0x0;
	[sflag:s13] =	ssyncset.done @!p0 $0x0  }
0x80: {  	s4 =	simm.s32 @!p0 $0xE400;
	[sflag:s13] =	ssyncadd.s32 @!p0 $0xFFFFC000;
	s13 =	simm.s32 @!p0 $0x7  }
0x81: {  	[hbm4b:s25+s0] =	stream.linear.scatter @!p0 [tilespmem:s4], [sflag:$0x7], $0x4000, $0x38;
	[tilespmem:$0x16400] =	vst v63  }
0x82: {  	_ =	swait.ge @!p0 [sflag:s13], $0x4000  }
0x83: {  	[sflag:s13] =	ssyncset.done @!p0 $0x0  }
0x84: {  	s0 =	sadd.s32 @!p0 $0x300, s1;
	[sflag:s13] =	ssyncadd.s32 @!p0 $0xFFFFC000  }
0x85: {  	[tilespmem:s4], [sflag:$0x3] =	stream.indirect.gather @!p0 [hbm4b:s2+s5], $0x80, s0, s5, $0xb8;
	[tilespmem:$0x16400] =	vst v63  }
0x86: {  	_ =	swait.ge [sflag:s18], $0x4000  }
0x87: {  	[sflag:s18] =	ssyncset.done $0x0  }
0x88: {  	[sflag:s18] =	ssyncadd.s32 $0xFFFFC000  }
0x89: {  	[hbm4b:s24+s3] =	stream.linear.scatter [tilespmem:s15], [sflag:$0x8], $0x4000, $0x38;
	[tilespmem:$0x16400] =	vst v63  }
0x8a: {  	_ =	swait.ge [sflag:s19], $0x4000  }
0x8b: {  	[sflag:s19] =	ssyncset.done $0x0  }
0x8c: {  	[sflag:s19] =	ssyncadd.s32 $0xFFFFC000  }
0x8d: {  	_ =	swait.ge [sflag:s20], $0x4000  }
0x8e: {  	[sflag:s20] =	ssyncset.done $0x0  }
0x8f: {  	[sflag:s20] =	ssyncadd.s32 $0xFFFFC000  }
0x90: {  	_ =	swait.ge [sflag:s21], $0x4000  }
0x91: {  	[sflag:s21] =	ssyncset.done $0x0  }
0x92: {  	[sflag:s21] =	ssyncadd.s32 $0xFFFFC000  }
0x93: {  	_ =	swait.ge [sflag:s22], $0x4000  }
0x94: {  	s23 =	sadd.s32 $0x1, s23;
	s31 =	rddreg [dreg:$0x6]  }
0x95: {  	p0 =	sne.s32 s23, s31  }
.Ltmp1:
0x96: {  	_ = 	snop;
	(pc) =	sbr.rel @p0 .LBB2_1-.Ltmp1, $3  }
0x97: {  	_ =	sdelay $0x1  }
0x98: {  	[sflag:s22] =	ssyncset.done $0x0  }
0x99: {  	[sflag:s22] =	ssyncadd.s32 $0xFFFFC000  }
0x9a: {  	_ =	sfence.sel $0x180000  }
0x9b: {  	[bflag:$0x0] =	sbarrier.arrive $0xFFFF  }
0x9c: {  	_ =	strace $0x90000047  }
0x9d: {  	s0 =	stileid.u32;
	[bflag:$0x2] =	sbarrier.arrive $0xFFFF  }
0x9e: {  	p0 =	sne.s32 s0, $0x0;
	s0 =	rddreg [dreg:$0x3]  }
0x9f: {  	s0 =	sadd.s32 @!p0 $0x100000, s0  }
0xa0: {  	[sflag:s0] =	ssyncadd.tile.s32 @!p0 $0x1;
	_ =	shalt  }
.Lfunc_end2:
_tile_overlayer_lowered:
.L_overlay_start_2:
0xa1: {  	(tag) =	ssettag $0x2  }
0xa2: {  	s0 =	rddreg [dreg:$0x0];
	s2 =	stileid.u32  }
0xa3: {  	s1 =	rddreg [dreg:$0x1];
	p0 =	sne.s32 s2, $0x0  }
0xa4: {  	s3 =	rddreg [dreg:$0x2];
	[bflag:$0x3] =	sbarrier.arrive $0xFFFF;
	s2 =	simm.s32 @!p0 $0x1C09  }
0xa5: {  	[timem:s3], [sflag:s2] =	dma.local @!p0 [hbm:s0], s1  }
0xa6: {  	s0 =	simm.s32 @!p0 $0x9  }
0xa7: {  	_ =	swait.ge @!p0 [sflag:s0], s1  }
0xa8: {  	s1 =	ssub.s32 @!p0 $0x0, s1;
	[sflag:s0] =	ssyncset.done @!p0 $0x0  }
0xa9: {  	[sflag:s0] =	ssyncadd.s32 @!p0 s1  }
0xaa: {  	[bflag:$0x3] =	sbarrier.arrive $0xFFFF  }
0xab: {  	_ =	shalt  }

</sc_bundles>
